<compile_context>
chip_gen: v7x
topology: tpu7x:2x2x1
jax: 0.10.2.dev20260603
libtpu: 0.0.44.dev20260713+nightly
codegen_flags: <defaults>
</compile_context>

<pallas_src>
import functools

import jax
import jax.numpy as jnp
from jax import lax
from jax.experimental import pallas as pl
from jax.experimental.pallas import tpu as pltpu
from jax.experimental.pallas import tpu_sc as plsc

B = 16384
H = 50
D = 32
NC = 2
NS = 16
NW = NC * NS
BPW = B // NW


ACC_BYTES = BPW * D * 4


def _body(ugen, iid, cid, hist_i, hist_c,
          emb_ugen, emb_iid, emb_cid,
          out_g, out_i, out_c, out_hi, out_hc,
          idx4, hiv, hcv, r0, r1, acc_i, acc_c,
          s_idx, s0, s1, si, sc):
    wid = lax.axis_index("s") * NC + lax.axis_index("c")
    base = wid * BPW
    bsl = pl.ds(base, BPW)

    d_idx = [pltpu.async_copy(feat.at[bsl], idx4.at[k], s_idx)
             for k, feat in enumerate((ugen, iid, cid))]

    def load_hist(h, _):
        pltpu.async_copy(hist_i.at[pl.ds(h * B + base, BPW)], hiv.at[h], s_idx)
        pltpu.async_copy(hist_c.at[pl.ds(h * B + base, BPW)], hcv.at[h], s_idx)
        return 0

    lax.fori_loop(0, H, load_hist, 0)

    zeros = jnp.zeros((16,), jnp.float32)

    def zero(i, _):
        for acc in (acc_i, acc_c):
            for c in (0, 16):
                acc[i, pl.ds(c, 16)] = zeros
        return 0

    lax.fori_loop(0, BPW, zero, 0)

    for d in d_idx:
        d.wait()

    def drain_hist(h, _):
        pltpu.make_async_copy(hist_i.at[pl.ds(base, BPW)], hiv.at[0], s_idx).wait()
        pltpu.make_async_copy(hist_c.at[pl.ds(base, BPW)], hcv.at[0], s_idx).wait()
        return 0

    lax.fori_loop(0, H, drain_hist, 0)

    g1 = pltpu.async_copy(emb_ugen.at[idx4.at[0]], r1, s1)
    g1.wait()
    w1 = pltpu.async_copy(r1, out_g.at[bsl, :], s1)
    g2 = pltpu.async_copy(emb_iid.at[idx4.at[1]], r0, s0)
    w1.wait()
    g3 = pltpu.async_copy(emb_cid.at[idx4.at[2]], r1, s1)

    def fire_i(h, _):
        pltpu.async_copy(emb_iid.at[hiv.at[h]], acc_i, si, add=True)
        return 0

    def fire_c(h, _):
        pltpu.async_copy(emb_cid.at[hcv.at[h]], acc_c, sc, add=True)
        return 0

    lax.fori_loop(0, H, fire_i, 0)
    lax.fori_loop(0, H, fire_c, 0)

    g2.wait()
    pltpu.sync_copy(r0, out_i.at[bsl, :])
    g3.wait()
    pltpu.sync_copy(r1, out_c.at[bsl, :])

    for acc, sem, out in ((acc_i, si, out_hi), (acc_c, sc, out_hc)):
        def drain(h, _):
            pltpu.make_async_copy(out_hi.at[bsl, :], acc, sem).wait()
            return 0

        lax.fori_loop(0, H, drain, 0)

        def scale(i, _):
            for c in (0, 16):
                acc[i, pl.ds(c, 16)] = acc[i, pl.ds(c, 16)] * (1.0 / H)
            return 0

        lax.fori_loop(0, BPW, scale, 0)
        pltpu.sync_copy(acc, out.at[bsl, :])


def _body_uid(uid, emb_uid, out_u, idxu, r, s_idx, s0):
    wid = lax.axis_index("s") * NC + lax.axis_index("c")
    bsl = pl.ds(wid * BPW, BPW)
    pltpu.async_copy(uid.at[bsl], idxu.at[0], s_idx).wait()
    pltpu.async_copy(emb_uid.at[idxu.at[0]], r, s0).wait()
    pltpu.sync_copy(r, out_u.at[bsl, :])


@jax.jit
def _run(uid, ugen, iid, cid, hist_i_t, hist_c_t,
         emb_uid_raw, emb_ugen, emb_iid, emb_cid):
    mesh = plsc.VectorSubcoreMesh(core_axis_name="c", subcore_axis_name="s",
                                  num_cores=NC, num_subcores=NS)
    f = pl.kernel(
        _body,
        out_type=[jax.ShapeDtypeStruct((B, D), jnp.float32)] * 5,
        mesh=mesh,
        scratch_types=[
            pltpu.VMEM((3, BPW), jnp.int32),
            pltpu.VMEM((H, BPW), jnp.int32),
            pltpu.VMEM((H, BPW), jnp.int32),
            pltpu.VMEM((BPW, D), jnp.float32),
            pltpu.VMEM((BPW, D), jnp.float32),
            pltpu.VMEM((BPW, D), jnp.float32),
            pltpu.VMEM((BPW, D), jnp.float32),
            pltpu.SemaphoreType.DMA,
            pltpu.SemaphoreType.DMA,
            pltpu.SemaphoreType.DMA,
            pltpu.SemaphoreType.DMA,
            pltpu.SemaphoreType.DMA,
        ],
        compiler_params=pltpu.CompilerParams(use_tc_tiling_on_sc=False),
    )
    outs = f(ugen, iid, cid, hist_i_t, hist_c_t,
             emb_ugen, emb_iid, emb_cid)
    f_uid = pl.kernel(
        _body_uid,
        out_type=jax.ShapeDtypeStruct((B, D), jnp.float32),
        mesh=mesh,
        scratch_types=[
            pltpu.VMEM((1, BPW), jnp.int32),
            pltpu.VMEM((BPW, D), jnp.float32),
            pltpu.SemaphoreType.DMA,
            pltpu.SemaphoreType.DMA,
        ],
        compiler_params=pltpu.CompilerParams(use_tc_tiling_on_sc=False),
    )
    out_u = f_uid(uid, _rowmajor(emb_uid_raw))
    return jnp.concatenate((out_u,) + tuple(outs), axis=-1)


def _rowmajor(t):
    v, d = t.shape
    flat = jax.lax.optimization_barrier(t.reshape(v * d))
    return flat.reshape(v, d)


def kernel(user_id, user_gender, item_id, cate_id, hist_item_id, hist_cate_id,
           labels, emb_user_id, emb_user_gender, emb_item_id, emb_cate_id):
    uid = user_id.reshape(B).astype(jnp.int32)
    ugen = user_gender.reshape(B).astype(jnp.int32)
    iid = item_id.reshape(B).astype(jnp.int32)
    cid = cate_id.reshape(B).astype(jnp.int32)
    hist_i_t = hist_item_id.astype(jnp.int32).T.reshape(H * B)
    hist_c_t = hist_cate_id.astype(jnp.int32).T.reshape(H * B)
    return _run(uid, ugen, iid, cid, hist_i_t, hist_c_t,
                emb_user_id, emb_user_gender,
                _rowmajor(emb_item_id), _rowmajor(emb_cate_id))

# --- scband reference (transcript-rebuilt; emitter-appended) ---
"""Pipeline reference for scband-mind-72387378807234 (READ-ONLY COPY).

The authoritative reference and input builder live on the scoring server;
editing this copy changes nothing except your own understanding.
"""

import jax, jax.numpy as jnp
import numpy as np

B = 16384
H = 50
D = 32
V_ID = 1000000
V_CATE = 100000
V_GENDER = 2

def setup_inputs(seed: int = 0) -> dict:
    key = jax.random.key(seed)
    ks = jax.random.split(key, 11)
    inp = {}
    inp["user_id"] = jax.random.randint(ks[0], (B, 1), 0, V_ID)
    inp["user_gender"] = jax.random.randint(ks[1], (B, 1), 0, V_GENDER)
    inp["item_id"] = jax.random.randint(ks[2], (B, 1), 0, V_ID)
    inp["cate_id"] = jax.random.randint(ks[3], (B, 1), 0, V_CATE)
    inp["hist_item_id"] = jax.random.randint(ks[4], (B, H), 0, V_ID)
    inp["hist_cate_id"] = jax.random.randint(ks[5], (B, H), 0, V_CATE)
    inp["labels"] = jax.random.randint(ks[6], (B, 1), 0, V_ID)
    # learned embedding tables (random_uniform initializer in original)
    inp["emb_user_id"] = jax.random.uniform(ks[7], (V_ID, D), minval=-0.05, maxval=0.05, dtype=jnp.float32)
    inp["emb_user_gender"] = jax.random.uniform(ks[8], (V_GENDER, D), minval=-0.05, maxval=0.05, dtype=jnp.float32)
    inp["emb_item_id"] = jax.random.uniform(ks[9], (V_ID, D), minval=-0.05, maxval=0.05, dtype=jnp.float32)
    inp["emb_cate_id"] = jax.random.uniform(ks[10], (V_CATE, D), minval=-0.05, maxval=0.05, dtype=jnp.float32)
    return inp


def reference(user_id, user_gender, item_id, cate_id, hist_item_id, hist_cate_id, labels,
              emb_user_id, emb_user_gender, emb_item_id, emb_cate_id):
    # user sparse embeddings: lookup per feature, concat on last axis -> [B, 1, 2D]
    user_sparse_embed = jnp.concatenate([
        jnp.take(emb_user_id, user_id, axis=0),
        jnp.take(emb_user_gender, user_gender, axis=0),
    ], axis=-1)
    # item sparse embeddings -> [B, 1, 2D]
    item_sparse_embed = jnp.concatenate([
        jnp.take(emb_item_id, item_id, axis=0),
        jnp.take(emb_cate_id, cate_id, axis=0),
    ], axis=-1)
    # history embeddings: per-timestep lookup, squeeze, mean-pool over hist_len -> [B, 2D]
    hist_embed = jnp.concatenate([
        jnp.take(emb_item_id, hist_item_id, axis=0),
        jnp.take(emb_cate_id, hist_cate_id, axis=0),
    ], axis=-1)  # [B, H, 2D]
    hist_pooled = jnp.mean(hist_embed, axis=1)  # PoolingLayer(mode='mean')
    out = jnp.concatenate([
        jnp.squeeze(user_sparse_embed, axis=1),
        jnp.squeeze(item_sparse_embed, axis=1),
        hist_pooled,
    ], axis=-1)  # [B, 6D]
    return out

if __name__ == "__main__":
    import jax
    _d = setup_inputs()
    print(jax.jit(kernel)(*tuple(_d.values())))

</pallas_src>

<mosaic_0001>
#map = affine_map<(d0, d1) -> (0)>
#map1 = affine_map<(d0, d1) -> (0, 0)>
module attributes {stable_mosaic.version = 14 : i64} {
  func.func @_body_uid(%arg0: i32, %arg1: i32, %arg2: memref<16384xi32, #tpu.memory_space<hbm>>, %arg3: memref<1000000x32xf32, #tpu.memory_space<hbm>>, %arg4: memref<16384x32xf32, #tpu.memory_space<hbm>>, %arg5: memref<1x512xi32, #tpu.memory_space<vmem>>, %arg6: memref<512x32xf32, #tpu.memory_space<vmem>>, %arg7: memref<!tpu.dma_semaphore, #tpu.memory_space<semaphore_mem>>, %arg8: memref<!tpu.dma_semaphore, #tpu.memory_space<semaphore_mem>>) attributes {dimension_semantics = [#tpu.dimension_semantics<core_parallel>, #tpu.dimension_semantics<subcore_parallel>], iteration_bounds = array<i64: 2, 16>, scalar_prefetch = 0 : i64, scratch_operands = 4 : i64, tpu.core_type = #tpu.core_type<sc_vector_subcore>, window_params = [{transform_indices = #map}, {transform_indices = #map1}, {transform_indices = #map1}]} {
    %mul3A = arith.constant 2 : i32
    %mul3A_0 = arith.muli %arg1, %mul3A : i32
    %add3A = arith.addi %mul3A_0, %arg0 : i32
    %mul3A_1 = arith.constant 512 : i32
    %mul3A_2 = arith.muli %add3A, %mul3A_1 : i32
    %dma_start3A = arith.constant 0 : i32
    %dma_start3A_3 = arith.constant 0 : i32
    %dma_start3A_4 = tpu.memref_slice %arg5[%dma_start3A, %dma_start3A_3] : memref<1x512xi32, #tpu.memory_space<vmem>> -> memref<1x512xi32, #tpu.memory_space<vmem>>
    %dma_start3A_5 = tpu.memref_squeeze %dma_start3A_4 : memref<1x512xi32, #tpu.memory_space<vmem>> -> memref<512xi32, #tpu.memory_space<vmem>>
    %dma_start3A_6 = tpu.memref_slice %arg2[%mul3A_2] : memref<16384xi32, #tpu.memory_space<hbm>> -> memref<512xi32, #tpu.memory_space<hbm>>
    %dma_start3A_7 = arith.constant 0 : i32
    %dma_start3A_8 = tpu.memref_slice %arg5[%dma_start3A, %dma_start3A_7] : memref<1x512xi32, #tpu.memory_space<vmem>> -> memref<1x512xi32, #tpu.memory_space<vmem>>
    %dma_start3A_9 = tpu.memref_squeeze %dma_start3A_8 : memref<1x512xi32, #tpu.memory_space<vmem>> -> memref<512xi32, #tpu.memory_space<vmem>>
    %dma_start3A_10 = tpu.memref_slice %arg2[%mul3A_2] : memref<16384xi32, #tpu.memory_space<hbm>> -> memref<512xi32, #tpu.memory_space<hbm>>
    tpu.enqueue_dma source(%dma_start3A_10 : memref<512xi32, #tpu.memory_space<hbm>>) target(%dma_start3A_9 : memref<512xi32, #tpu.memory_space<vmem>>) target_semaphore(%arg7 : memref<!tpu.dma_semaphore, #tpu.memory_space<semaphore_mem>>)
    %dma_wait3A = arith.constant 0 : i32
    %dma_wait3A_11 = arith.constant 0 : i32
    %dma_wait3A_12 = tpu.memref_slice %arg5[%dma_wait3A, %dma_wait3A_11] : memref<1x512xi32, #tpu.memory_space<vmem>> -> memref<1x512xi32, #tpu.memory_space<vmem>>
    %dma_wait3A_13 = tpu.memref_squeeze %dma_wait3A_12 : memref<1x512xi32, #tpu.memory_space<vmem>> -> memref<512xi32, #tpu.memory_space<vmem>>
    %dma_wait3A_14 = tpu.memref_slice %arg2[%mul3A_2] : memref<16384xi32, #tpu.memory_space<hbm>> -> memref<512xi32, #tpu.memory_space<hbm>>
    %dma_wait3A_15 = arith.constant 0 : i32
    %dma_wait3A_16 = tpu.memref_slice %arg5[%dma_wait3A, %dma_wait3A_15] : memref<1x512xi32, #tpu.memory_space<vmem>> -> memref<1x512xi32, #tpu.memory_space<vmem>>
    %dma_wait3A_17 = tpu.memref_squeeze %dma_wait3A_16 : memref<1x512xi32, #tpu.memory_space<vmem>> -> memref<512xi32, #tpu.memory_space<vmem>>
    %dma_wait3A_18 = tpu.memref_slice %arg2[%mul3A_2] : memref<16384xi32, #tpu.memory_space<hbm>> -> memref<512xi32, #tpu.memory_space<hbm>>
    tpu.wait_dma2 semaphore(%arg7 : memref<!tpu.dma_semaphore, #tpu.memory_space<semaphore_mem>>) src(%dma_wait3A_18 : memref<512xi32, #tpu.memory_space<hbm>>) dst(%dma_wait3A_17 : memref<512xi32, #tpu.memory_space<vmem>>)
    %dma_start3A_19 = arith.constant 0 : i32
    %dma_start3A_20 = arith.constant 0 : i32
    %dma_start3A_21 = tpu.memref_slice %arg5[%dma_start3A_19, %dma_start3A_20] : memref<1x512xi32, #tpu.memory_space<vmem>> -> memref<1x512xi32, #tpu.memory_space<vmem>>
    %dma_start3A_22 = tpu.memref_squeeze %dma_start3A_21 : memref<1x512xi32, #tpu.memory_space<vmem>> -> memref<512xi32, #tpu.memory_space<vmem>>
    %dma_start3A_23 = arith.constant 0 : i32
    %dma_start3A_24 = arith.constant 0 : i32
    %dma_start3A_25 = tpu.memref_slice %arg3[%dma_start3A_23, %dma_start3A_24] : memref<1000000x32xf32, #tpu.memory_space<hbm>> -> memref<1000000x32xf32, #tpu.memory_space<hbm>>
    tpu.enqueue_indirect_dma source(%dma_start3A_25 : memref<1000000x32xf32, #tpu.memory_space<hbm>>) target(%arg6 : memref<512x32xf32, #tpu.memory_space<vmem>>) offsets(%dma_start3A_22 : memref<512xi32, #tpu.memory_space<vmem>>) semaphore(%arg8 : memref<!tpu.dma_semaphore, #tpu.memory_space<semaphore_mem>>)
    %dma_wait3A_26 = arith.constant 0 : i32
    %dma_wait3A_27 = arith.constant 0 : i32
    %dma_wait3A_28 = tpu.memref_slice %arg5[%dma_wait3A_26, %dma_wait3A_27] : memref<1x512xi32, #tpu.memory_space<vmem>> -> memref<1x512xi32, #tpu.memory_space<vmem>>
    %dma_wait3A_29 = tpu.memref_squeeze %dma_wait3A_28 : memref<1x512xi32, #tpu.memory_space<vmem>> -> memref<512xi32, #tpu.memory_space<vmem>>
    %dma_wait3A_30 = arith.constant 0 : i32
    %dma_wait3A_31 = arith.constant 0 : i32
    %dma_wait3A_32 = tpu.memref_slice %arg3[%dma_wait3A_30, %dma_wait3A_31] : memref<1000000x32xf32, #tpu.memory_space<hbm>> -> memref<1000000x32xf32, #tpu.memory_space<hbm>>
    tpu.wait_indirect_dma semaphore(%arg8 : memref<!tpu.dma_semaphore, #tpu.memory_space<semaphore_mem>>) src(%dma_wait3A_32 : memref<1000000x32xf32, #tpu.memory_space<hbm>>) dst(%arg6 : memref<512x32xf32, #tpu.memory_space<vmem>>)
    "tpu.region"() ({
      %run_scoped3A = tpu.sem_alloc : memref<!tpu.dma_semaphore, #tpu.memory_space<semaphore_mem>>
      %dma_start3A_33 = arith.constant 0 : i32
      %dma_start3A_34 = tpu.memref_slice %arg4[%mul3A_2, %dma_start3A_33] : memref<16384x32xf32, #tpu.memory_space<hbm>> -> memref<512x32xf32, #tpu.memory_space<hbm>>
      %dma_start3A_35 = arith.constant 0 : i32
      %dma_start3A_36 = tpu.memref_slice %arg4[%mul3A_2, %dma_start3A_35] : memref<16384x32xf32, #tpu.memory_space<hbm>> -> memref<512x32xf32, #tpu.memory_space<hbm>>
      tpu.enqueue_dma source(%arg6 : memref<512x32xf32, #tpu.memory_space<vmem>>) target(%dma_start3A_36 : memref<512x32xf32, #tpu.memory_space<hbm>>) target_semaphore(%run_scoped3A : memref<!tpu.dma_semaphore, #tpu.memory_space<semaphore_mem>>)
      %dma_wait3A_37 = arith.constant 0 : i32
      %dma_wait3A_38 = tpu.memref_slice %arg4[%mul3A_2, %dma_wait3A_37] : memref<16384x32xf32, #tpu.memory_space<hbm>> -> memref<512x32xf32, #tpu.memory_space<hbm>>
      %dma_wait3A_39 = arith.constant 0 : i32
      %dma_wait3A_40 = tpu.memref_slice %arg4[%mul3A_2, %dma_wait3A_39] : memref<16384x32xf32, #tpu.memory_space<hbm>> -> memref<512x32xf32, #tpu.memory_space<hbm>>
      tpu.wait_dma2 semaphore(%run_scoped3A : memref<!tpu.dma_semaphore, #tpu.memory_space<semaphore_mem>>) src(%arg6 : memref<512x32xf32, #tpu.memory_space<vmem>>) dst(%dma_wait3A_40 : memref<512x32xf32, #tpu.memory_space<hbm>>)
      tpu.yield
    }) : () -> ()
    return
  }
}

#map = affine_map<(d0, d1) -> (0)>
#map1 = affine_map<(d0, d1) -> (0, 0)>
module attributes {stable_mosaic.version = 14 : i64} {
  func.func @_body(%arg0: i32, %arg1: i32, %arg2: memref<16384xi32, #tpu.memory_space<hbm>>, %arg3: memref<16384xi32, #tpu.memory_space<hbm>>, %arg4: memref<16384xi32, #tpu.memory_space<hbm>>, %arg5: memref<819200xi32, #tpu.memory_space<hbm>>, %arg6: memref<819200xi32, #tpu.memory_space<hbm>>, %arg7: memref<2x32xf32, #tpu.memory_space<hbm>>, %arg8: memref<1000000x32xf32, #tpu.memory_space<hbm>>, %arg9: memref<100000x32xf32, #tpu.memory_space<hbm>>, %arg10: memref<16384x32xf32, #tpu.memory_space<hbm>>, %arg11: memref<16384x32xf32, #tpu.memory_space<hbm>>, %arg12: memref<16384x32xf32, #tpu.memory_space<hbm>>, %arg13: memref<16384x32xf32, #tpu.memory_space<hbm>>, %arg14: memref<16384x32xf32, #tpu.memory_space<hbm>>, %arg15: memref<3x512xi32, #tpu.memory_space<vmem>>, %arg16: memref<50x512xi32, #tpu.memory_space<vmem>>, %arg17: memref<50x512xi32, #tpu.memory_space<vmem>>, %arg18: memref<512x32xf32, #tpu.memory_space<vmem>>, %arg19: memref<512x32xf32, #tpu.memory_space<vmem>>, %arg20: memref<512x32xf32, #tpu.memory_space<vmem>>, %arg21: memref<512x32xf32, #tpu.memory_space<vmem>>, %arg22: memref<!tpu.dma_semaphore, #tpu.memory_space<semaphore_mem>>, %arg23: memref<!tpu.dma_semaphore, #tpu.memory_space<semaphore_mem>>, %arg24: memref<!tpu.dma_semaphore, #tpu.memory_space<semaphore_mem>>, %arg25: memref<!tpu.dma_semaphore, #tpu.memory_space<semaphore_mem>>, %arg26: memref<!tpu.dma_semaphore, #tpu.memory_space<semaphore_mem>>) attributes {dimension_semantics = [#tpu.dimension_semantics<core_parallel>, #tpu.dimension_semantics<subcore_parallel>], iteration_bounds = array<i64: 2, 16>, scalar_prefetch = 0 : i64, scratch_operands = 12 : i64, tpu.core_type = #tpu.core_type<sc_vector_subcore>, window_params = [{transform_indices = #map}, {transform_indices = #map}, {transform_indices = #map}, {transform_indices = #map}, {transform_indices = #map}, {transform_indices = #map1}, {transform_indices = #map1}, {transform_indices = #map1}, {transform_indices = #map1}, {transform_indices = #map1}, {transform_indices = #map1}, {transform_indices = #map1}, {transform_indices = #map1}]} {
    %mul3A = arith.constant 2 : i32
    %mul3A_0 = arith.muli %arg1, %mul3A : i32
    %add3A = arith.addi %mul3A_0, %arg0 : i32
    %mul3A_1 = arith.constant 512 : i32
    %mul3A_2 = arith.muli %add3A, %mul3A_1 : i32
    %dma_start3A = arith.constant 0 : i32
    %dma_start3A_3 = arith.constant 0 : i32
    %dma_start3A_4 = tpu.memref_slice %arg15[%dma_start3A, %dma_start3A_3] : memref<3x512xi32, #tpu.memory_space<vmem>> -> memref<1x512xi32, #tpu.memory_space<vmem>>
    %dma_start3A_5 = tpu.memref_squeeze %dma_start3A_4 : memref<1x512xi32, #tpu.memory_space<vmem>> -> memref<512xi32, #tpu.memory_space<vmem>>
    %dma_start3A_6 = tpu.memref_slice %arg2[%mul3A_2] : memref<16384xi32, #tpu.memory_space<hbm>> -> memref<512xi32, #tpu.memory_space<hbm>>
    %dma_start3A_7 = arith.constant 0 : i32
    %dma_start3A_8 = tpu.memref_slice %arg15[%dma_start3A, %dma_start3A_7] : memref<3x512xi32, #tpu.memory_space<vmem>> -> memref<1x512xi32, #tpu.memory_space<vmem>>
    %dma_start3A_9 = tpu.memref_squeeze %dma_start3A_8 : memref<1x512xi32, #tpu.memory_space<vmem>> -> memref<512xi32, #tpu.memory_space<vmem>>
    %dma_start3A_10 = tpu.memref_slice %arg2[%mul3A_2] : memref<16384xi32, #tpu.memory_space<hbm>> -> memref<512xi32, #tpu.memory_space<hbm>>
    tpu.enqueue_dma source(%dma_start3A_10 : memref<512xi32, #tpu.memory_space<hbm>>) target(%dma_start3A_9 : memref<512xi32, #tpu.memory_space<vmem>>) target_semaphore(%arg22 : memref<!tpu.dma_semaphore, #tpu.memory_space<semaphore_mem>>)
    %dma_start3A_11 = arith.constant 1 : i32
    %dma_start3A_12 = arith.constant 0 : i32
    %dma_start3A_13 = tpu.memref_slice %arg15[%dma_start3A_11, %dma_start3A_12] : memref<3x512xi32, #tpu.memory_space<vmem>> -> memref<1x512xi32, #tpu.memory_space<vmem>>
    %dma_start3A_14 = tpu.memref_squeeze %dma_start3A_13 : memref<1x512xi32, #tpu.memory_space<vmem>> -> memref<512xi32, #tpu.memory_space<vmem>>
    %dma_start3A_15 = tpu.memref_slice %arg3[%mul3A_2] : memref<16384xi32, #tpu.memory_space<hbm>> -> memref<512xi32, #tpu.memory_space<hbm>>
    %dma_start3A_16 = arith.constant 0 : i32
    %dma_start3A_17 = tpu.memref_slice %arg15[%dma_start3A_11, %dma_start3A_16] : memref<3x512xi32, #tpu.memory_space<vmem>> -> memref<1x512xi32, #tpu.memory_space<vmem>>
    %dma_start3A_18 = tpu.memref_squeeze %dma_start3A_17 : memref<1x512xi32, #tpu.memory_space<vmem>> -> memref<512xi32, #tpu.memory_space<vmem>>
    %dma_start3A_19 = tpu.memref_slice %arg3[%mul3A_2] : memref<16384xi32, #tpu.memory_space<hbm>> -> memref<512xi32, #tpu.memory_space<hbm>>
    tpu.enqueue_dma source(%dma_start3A_19 : memref<512xi32, #tpu.memory_space<hbm>>) target(%dma_start3A_18 : memref<512xi32, #tpu.memory_space<vmem>>) target_semaphore(%arg22 : memref<!tpu.dma_semaphore, #tpu.memory_space<semaphore_mem>>)
    %dma_start3A_20 = arith.constant 2 : i32
    %dma_start3A_21 = arith.constant 0 : i32
    %dma_start3A_22 = tpu.memref_slice %arg15[%dma_start3A_20, %dma_start3A_21] : memref<3x512xi32, #tpu.memory_space<vmem>> -> memref<1x512xi32, #tpu.memory_space<vmem>>
    %dma_start3A_23 = tpu.memref_squeeze %dma_start3A_22 : memref<1x512xi32, #tpu.memory_space<vmem>> -> memref<512xi32, #tpu.memory_space<vmem>>
    %dma_start3A_24 = tpu.memref_slice %arg4[%mul3A_2] : memref<16384xi32, #tpu.memory_space<hbm>> -> memref<512xi32, #tpu.memory_space<hbm>>
    %dma_start3A_25 = arith.constant 0 : i32
    %dma_start3A_26 = tpu.memref_slice %arg15[%dma_start3A_20, %dma_start3A_25] : memref<3x512xi32, #tpu.memory_space<vmem>> -> memref<1x512xi32, #tpu.memory_space<vmem>>
    %dma_start3A_27 = tpu.memref_squeeze %dma_start3A_26 : memref<1x512xi32, #tpu.memory_space<vmem>> -> memref<512xi32, #tpu.memory_space<vmem>>
    %dma_start3A_28 = tpu.memref_slice %arg4[%mul3A_2] : memref<16384xi32, #tpu.memory_space<hbm>> -> memref<512xi32, #tpu.memory_space<hbm>>
    tpu.enqueue_dma source(%dma_start3A_28 : memref<512xi32, #tpu.memory_space<hbm>>) target(%dma_start3A_27 : memref<512xi32, #tpu.memory_space<vmem>>) target_semaphore(%arg22 : memref<!tpu.dma_semaphore, #tpu.memory_space<semaphore_mem>>)
    %scan3A = arith.constant 0 : i32
    %scan3A_29 = arith.constant 0 : i32
    %scan3A_30 = arith.constant 50 : i32
    %scan3A_31 = arith.addi %scan3A_29, %scan3A_30 : i32
    %scan3A_32 = arith.constant 1 : i32
    %scan3A_33 = scf.for %scan3A_168 = %scan3A_29 to %scan3A_31 step %scan3A_32 iter_args(%scan3A_169 = %scan3A) -> (i32)  : i32 {
      %mul3A_170 = arith.constant 16384 : i32
      %mul3A_171 = arith.muli %scan3A_168, %mul3A_170 : i32
      %add3A_172 = arith.addi %mul3A_171, %mul3A_2 : i32
      %dma_start3A_173 = arith.constant 0 : i32
      %dma_start3A_174 = tpu.memref_slice %arg16[%scan3A_168, %dma_start3A_173] : memref<50x512xi32, #tpu.memory_space<vmem>> -> memref<1x512xi32, #tpu.memory_space<vmem>>
      %dma_start3A_175 = tpu.memref_squeeze %dma_start3A_174 : memref<1x512xi32, #tpu.memory_space<vmem>> -> memref<512xi32, #tpu.memory_space<vmem>>
      %dma_start3A_176 = tpu.memref_slice %arg5[%add3A_172] : memref<819200xi32, #tpu.memory_space<hbm>> -> memref<512xi32, #tpu.memory_space<hbm>>
      %dma_start3A_177 = arith.constant 0 : i32
      %dma_start3A_178 = tpu.memref_slice %arg16[%scan3A_168, %dma_start3A_177] : memref<50x512xi32, #tpu.memory_space<vmem>> -> memref<1x512xi32, #tpu.memory_space<vmem>>
      %dma_start3A_179 = tpu.memref_squeeze %dma_start3A_178 : memref<1x512xi32, #tpu.memory_space<vmem>> -> memref<512xi32, #tpu.memory_space<vmem>>
      %dma_start3A_180 = tpu.memref_slice %arg5[%add3A_172] : memref<819200xi32, #tpu.memory_space<hbm>> -> memref<512xi32, #tpu.memory_space<hbm>>
      tpu.enqueue_dma source(%dma_start3A_180 : memref<512xi32, #tpu.memory_space<hbm>>) target(%dma_start3A_179 : memref<512xi32, #tpu.memory_space<vmem>>) target_semaphore(%arg22 : memref<!tpu.dma_semaphore, #tpu.memory_space<semaphore_mem>>)
      %mul3A_181 = arith.constant 16384 : i32
      %mul3A_182 = arith.muli %scan3A_168, %mul3A_181 : i32
      %add3A_183 = arith.addi %mul3A_182, %mul3A_2 : i32
      %dma_start3A_184 = arith.constant 0 : i32
      %dma_start3A_185 = tpu.memref_slice %arg17[%scan3A_168, %dma_start3A_184] : memref<50x512xi32, #tpu.memory_space<vmem>> -> memref<1x512xi32, #tpu.memory_space<vmem>>
      %dma_start3A_186 = tpu.memref_squeeze %dma_start3A_185 : memref<1x512xi32, #tpu.memory_space<vmem>> -> memref<512xi32, #tpu.memory_space<vmem>>
      %dma_start3A_187 = tpu.memref_slice %arg6[%add3A_183] : memref<819200xi32, #tpu.memory_space<hbm>> -> memref<512xi32, #tpu.memory_space<hbm>>
      %dma_start3A_188 = arith.constant 0 : i32
      %dma_start3A_189 = tpu.memref_slice %arg17[%scan3A_168, %dma_start3A_188] : memref<50x512xi32, #tpu.memory_space<vmem>> -> memref<1x512xi32, #tpu.memory_space<vmem>>
      %dma_start3A_190 = tpu.memref_squeeze %dma_start3A_189 : memref<1x512xi32, #tpu.memory_space<vmem>> -> memref<512xi32, #tpu.memory_space<vmem>>
      %dma_start3A_191 = tpu.memref_slice %arg6[%add3A_183] : memref<819200xi32, #tpu.memory_space<hbm>> -> memref<512xi32, #tpu.memory_space<hbm>>
      tpu.enqueue_dma source(%dma_start3A_191 : memref<512xi32, #tpu.memory_space<hbm>>) target(%dma_start3A_190 : memref<512xi32, #tpu.memory_space<vmem>>) target_semaphore(%arg22 : memref<!tpu.dma_semaphore, #tpu.memory_space<semaphore_mem>>)
      %scan3A_192 = arith.constant 0 : i32
      scf.yield %scan3A_192 : i32
    }
    %scan3A_34 = arith.constant 50 : i32
    %broadcast_in_dim3A = arith.constant 0.000000e+00 : f32
    %broadcast_in_dim3A_35 = vector.broadcast %broadcast_in_dim3A : f32 to vector<16xf32>
    %scan3A_36 = arith.constant 0 : i32
    %scan3A_37 = arith.constant 0 : i32
    %scan3A_38 = arith.constant 512 : i32
    %scan3A_39 = arith.addi %scan3A_37, %scan3A_38 : i32
    %scan3A_40 = arith.constant 1 : i32
    %scan3A_41 = scf.for %scan3A_168 = %scan3A_37 to %scan3A_39 step %scan3A_40 iter_args(%scan3A_169 = %scan3A_36) -> (i32)  : i32 {
      %swap3A = arith.index_cast %scan3A_168 : i32 to index
      %swap3A_170 = arith.constant 0 : index
      %swap3A_171 = tpu.vector_load %arg20[%swap3A, %swap3A_170] {strides = array<i32>} : memref<512x32xf32, #tpu.memory_space<vmem>>, vector<1x16xf32>,
      %swap3A_172 = vector.shape_cast %swap3A_171 : vector<1x16xf32> to vector<16xf32>
      %swap3A_173 = vector.shape_cast %broadcast_in_dim3A_35 : vector<16xf32> to vector<1x16xf32>
      tpu.vector_store %arg20[%swap3A, %swap3A_170], %swap3A_173 {strides = array<i32>} : memref<512x32xf32, #tpu.memory_space<vmem>>, vector<1x16xf32>,
      %swap3A_174 = arith.index_cast %scan3A_168 : i32 to index
      %swap3A_175 = arith.constant 16 : index
      %swap3A_176 = tpu.vector_load %arg20[%swap3A_174, %swap3A_175] {strides = array<i32>} : memref<512x32xf32, #tpu.memory_space<vmem>>, vector<1x16xf32>,
      %swap3A_177 = vector.shape_cast %swap3A_176 : vector<1x16xf32> to vector<16xf32>
      %swap3A_178 = vector.shape_cast %broadcast_in_dim3A_35 : vector<16xf32> to vector<1x16xf32>
      tpu.vector_store %arg20[%swap3A_174, %swap3A_175], %swap3A_178 {strides = array<i32>} : memref<512x32xf32, #tpu.memory_space<vmem>>, vector<1x16xf32>,
      %swap3A_179 = arith.index_cast %scan3A_168 : i32 to index
      %swap3A_180 = arith.constant 0 : index
      %swap3A_181 = tpu.vector_load %arg21[%swap3A_179, %swap3A_180] {strides = array<i32>} : memref<512x32xf32, #tpu.memory_space<vmem>>, vector<1x16xf32>,
      %swap3A_182 = vector.shape_cast %swap3A_181 : vector<1x16xf32> to vector<16xf32>
      %swap3A_183 = vector.shape_cast %broadcast_in_dim3A_35 : vector<16xf32> to vector<1x16xf32>
      tpu.vector_store %arg21[%swap3A_179, %swap3A_180], %swap3A_183 {strides = array<i32>} : memref<512x32xf32, #tpu.memory_space<vmem>>, vector<1x16xf32>,
      %swap3A_184 = arith.index_cast %scan3A_168 : i32 to index
      %swap3A_185 = arith.constant 16 : index
      %swap3A_186 = tpu.vector_load %arg21[%swap3A_184, %swap3A_185] {strides = array<i32>} : memref<512x32xf32, #tpu.memory_space<vmem>>, vector<1x16xf32>,
      %swap3A_187 = vector.shape_cast %swap3A_186 : vector<1x16xf32> to vector<16xf32>
      %swap3A_188 = vector.shape_cast %broadcast_in_dim3A_35 : vector<16xf32> to vector<1x16xf32>
      tpu.vector_store %arg21[%swap3A_184, %swap3A_185], %swap3A_188 {strides = array<i32>} : memref<512x32xf32, #tpu.memory_space<vmem>>, vector<1x16xf32>,
      %scan3A_189 = arith.constant 0 : i32
      scf.yield %scan3A_189 : i32
    }
    %scan3A_42 = arith.constant 512 : i32
    %dma_wait3A = arith.constant 0 : i32
    %dma_wait3A_43 = arith.constant 0 : i32
    %dma_wait3A_44 = tpu.memref_slice %arg15[%dma_wait3A, %dma_wait3A_43] : memref<3x512xi32, #tpu.memory_space<vmem>> -> memref<1x512xi32, #tpu.memory_space<vmem>>
    %dma_wait3A_45 = tpu.memref_squeeze %dma_wait3A_44 : memref<1x512xi32, #tpu.memory_space<vmem>> -> memref<512xi32, #tpu.memory_space<vmem>>
    %dma_wait3A_46 = tpu.memref_slice %arg2[%mul3A_2] : memref<16384xi32, #tpu.memory_space<hbm>> -> memref<512xi32, #tpu.memory_space<hbm>>
    %dma_wait3A_47 = arith.constant 0 : i32
    %dma_wait3A_48 = tpu.memref_slice %arg15[%dma_wait3A, %dma_wait3A_47] : memref<3x512xi32, #tpu.memory_space<vmem>> -> memref<1x512xi32, #tpu.memory_space<vmem>>
    %dma_wait3A_49 = tpu.memref_squeeze %dma_wait3A_48 : memref<1x512xi32, #tpu.memory_space<vmem>> -> memref<512xi32, #tpu.memory_space<vmem>>
    %dma_wait3A_50 = tpu.memref_slice %arg2[%mul3A_2] : memref<16384xi32, #tpu.memory_space<hbm>> -> memref<512xi32, #tpu.memory_space<hbm>>
    tpu.wait_dma2 semaphore(%arg22 : memref<!tpu.dma_semaphore, #tpu.memory_space<semaphore_mem>>) src(%dma_wait3A_50 : memref<512xi32, #tpu.memory_space<hbm>>) dst(%dma_wait3A_49 : memref<512xi32, #tpu.memory_space<vmem>>)
    %dma_wait3A_51 = arith.constant 1 : i32
    %dma_wait3A_52 = arith.constant 0 : i32
    %dma_wait3A_53 = tpu.memref_slice %arg15[%dma_wait3A_51, %dma_wait3A_52] : memref<3x512xi32, #tpu.memory_space<vmem>> -> memref<1x512xi32, #tpu.memory_space<vmem>>
    %dma_wait3A_54 = tpu.memref_squeeze %dma_wait3A_53 : memref<1x512xi32, #tpu.memory_space<vmem>> -> memref<512xi32, #tpu.memory_space<vmem>>
    %dma_wait3A_55 = tpu.memref_slice %arg3[%mul3A_2] : memref<16384xi32, #tpu.memory_space<hbm>> -> memref<512xi32, #tpu.memory_space<hbm>>
    %dma_wait3A_56 = arith.constant 0 : i32
    %dma_wait3A_57 = tpu.memref_slice %arg15[%dma_wait3A_51, %dma_wait3A_56] : memref<3x512xi32, #tpu.memory_space<vmem>> -> memref<1x512xi32, #tpu.memory_space<vmem>>
    %dma_wait3A_58 = tpu.memref_squeeze %dma_wait3A_57 : memref<1x512xi32, #tpu.memory_space<vmem>> -> memref<512xi32, #tpu.memory_space<vmem>>
    %dma_wait3A_59 = tpu.memref_slice %arg3[%mul3A_2] : memref<16384xi32, #tpu.memory_space<hbm>> -> memref<512xi32, #tpu.memory_space<hbm>>
    tpu.wait_dma2 semaphore(%arg22 : memref<!tpu.dma_semaphore, #tpu.memory_space<semaphore_mem>>) src(%dma_wait3A_59 : memref<512xi32, #tpu.memory_space<hbm>>) dst(%dma_wait3A_58 : memref<512xi32, #tpu.memory_space<vmem>>)
    %dma_wait3A_60 = arith.constant 2 : i32
    %dma_wait3A_61 = arith.constant 0 : i32
    %dma_wait3A_62 = tpu.memref_slice %arg15[%dma_wait3A_60, %dma_wait3A_61] : memref<3x512xi32, #tpu.memory_space<vmem>> -> memref<1x512xi32, #tpu.memory_space<vmem>>
    %dma_wait3A_63 = tpu.memref_squeeze %dma_wait3A_62 : memref<1x512xi32, #tpu.memory_space<vmem>> -> memref<512xi32, #tpu.memory_space<vmem>>
    %dma_wait3A_64 = tpu.memref_slice %arg4[%mul3A_2] : memref<16384xi32, #tpu.memory_space<hbm>> -> memref<512xi32, #tpu.memory_space<hbm>>
    %dma_wait3A_65 = arith.constant 0 : i32
    %dma_wait3A_66 = tpu.memref_slice %arg15[%dma_wait3A_60, %dma_wait3A_65] : memref<3x512xi32, #tpu.memory_space<vmem>> -> memref<1x512xi32, #tpu.memory_space<vmem>>
    %dma_wait3A_67 = tpu.memref_squeeze %dma_wait3A_66 : memref<1x512xi32, #tpu.memory_space<vmem>> -> memref<512xi32, #tpu.memory_space<vmem>>
    %dma_wait3A_68 = tpu.memref_slice %arg4[%mul3A_2] : memref<16384xi32, #tpu.memory_space<hbm>> -> memref<512xi32, #tpu.memory_space<hbm>>
    tpu.wait_dma2 semaphore(%arg22 : memref<!tpu.dma_semaphore, #tpu.memory_space<semaphore_mem>>) src(%dma_wait3A_68 : memref<512xi32, #tpu.memory_space<hbm>>) dst(%dma_wait3A_67 : memref<512xi32, #tpu.memory_space<vmem>>)
    %scan3A_69 = arith.constant 0 : i32
    %scan3A_70 = arith.constant 0 : i32
    %scan3A_71 = arith.constant 50 : i32
    %scan3A_72 = arith.addi %scan3A_70, %scan3A_71 : i32
    %scan3A_73 = arith.constant 1 : i32
    %scan3A_74 = scf.for %scan3A_168 = %scan3A_70 to %scan3A_72 step %scan3A_73 iter_args(%scan3A_169 = %scan3A_69) -> (i32)  : i32 {
      %dma_wait3A_170 = arith.constant 0 : i32
      %dma_wait3A_171 = arith.constant 0 : i32
      %dma_wait3A_172 = tpu.memref_slice %arg16[%dma_wait3A_170, %dma_wait3A_171] : memref<50x512xi32, #tpu.memory_space<vmem>> -> memref<1x512xi32, #tpu.memory_space<vmem>>
      %dma_wait3A_173 = tpu.memref_squeeze %dma_wait3A_172 : memref<1x512xi32, #tpu.memory_space<vmem>> -> memref<512xi32, #tpu.memory_space<vmem>>
      %dma_wait3A_174 = tpu.memref_slice %arg5[%mul3A_2] : memref<819200xi32, #tpu.memory_space<hbm>> -> memref<512xi32, #tpu.memory_space<hbm>>
      %dma_wait3A_175 = arith.constant 0 : i32
      %dma_wait3A_176 = tpu.memref_slice %arg16[%dma_wait3A_170, %dma_wait3A_175] : memref<50x512xi32, #tpu.memory_space<vmem>> -> memref<1x512xi32, #tpu.memory_space<vmem>>
      %dma_wait3A_177 = tpu.memref_squeeze %dma_wait3A_176 : memref<1x512xi32, #tpu.memory_space<vmem>> -> memref<512xi32, #tpu.memory_space<vmem>>
      %dma_wait3A_178 = tpu.memref_slice %arg5[%mul3A_2] : memref<819200xi32, #tpu.memory_space<hbm>> -> memref<512xi32, #tpu.memory_space<hbm>>
      tpu.wait_dma2 semaphore(%arg22 : memref<!tpu.dma_semaphore, #tpu.memory_space<semaphore_mem>>) src(%dma_wait3A_178 : memref<512xi32, #tpu.memory_space<hbm>>) dst(%dma_wait3A_177 : memref<512xi32, #tpu.memory_space<vmem>>)
      %dma_wait3A_179 = arith.constant 0 : i32
      %dma_wait3A_180 = arith.constant 0 : i32
      %dma_wait3A_181 = tpu.memref_slice %arg17[%dma_wait3A_179, %dma_wait3A_180] : memref<50x512xi32, #tpu.memory_space<vmem>> -> memref<1x512xi32, #tpu.memory_space<vmem>>
      %dma_wait3A_182 = tpu.memref_squeeze %dma_wait3A_181 : memref<1x512xi32, #tpu.memory_space<vmem>> -> memref<512xi32, #tpu.memory_space<vmem>>
      %dma_wait3A_183 = tpu.memref_slice %arg6[%mul3A_2] : memref<819200xi32, #tpu.memory_space<hbm>> -> memref<512xi32, #tpu.memory_space<hbm>>
      %dma_wait3A_184 = arith.constant 0 : i32
      %dma_wait3A_185 = tpu.memref_slice %arg17[%dma_wait3A_179, %dma_wait3A_184] : memref<50x512xi32, #tpu.memory_space<vmem>> -> memref<1x512xi32, #tpu.memory_space<vmem>>
      %dma_wait3A_186 = tpu.memref_squeeze %dma_wait3A_185 : memref<1x512xi32, #tpu.memory_space<vmem>> -> memref<512xi32, #tpu.memory_space<vmem>>
      %dma_wait3A_187 = tpu.memref_slice %arg6[%mul3A_2] : memref<819200xi32, #tpu.memory_space<hbm>> -> memref<512xi32, #tpu.memory_space<hbm>>
      tpu.wait_dma2 semaphore(%arg22 : memref<!tpu.dma_semaphore, #tpu.memory_space<semaphore_mem>>) src(%dma_wait3A_187 : memref<512xi32, #tpu.memory_space<hbm>>) dst(%dma_wait3A_186 : memref<512xi32, #tpu.memory_space<vmem>>)
      %scan3A_188 = arith.constant 0 : i32
      scf.yield %scan3A_188 : i32
    }
    %scan3A_75 = arith.constant 50 : i32
    %dma_start3A_76 = arith.constant 0 : i32
    %dma_start3A_77 = arith.constant 0 : i32
    %dma_start3A_78 = tpu.memref_slice %arg15[%dma_start3A_76, %dma_start3A_77] : memref<3x512xi32, #tpu.memory_space<vmem>> -> memref<1x512xi32, #tpu.memory_space<vmem>>
    %dma_start3A_79 = tpu.memref_squeeze %dma_start3A_78 : memref<1x512xi32, #tpu.memory_space<vmem>> -> memref<512xi32, #tpu.memory_space<vmem>>
    %dma_start3A_80 = arith.constant 0 : i32
    %dma_start3A_81 = arith.constant 0 : i32
    %dma_start3A_82 = tpu.memref_slice %arg7[%dma_start3A_80, %dma_start3A_81] : memref<2x32xf32, #tpu.memory_space<hbm>> -> memref<2x32xf32, #tpu.memory_space<hbm>>
    tpu.enqueue_indirect_dma source(%dma_start3A_82 : memref<2x32xf32, #tpu.memory_space<hbm>>) target(%arg19 : memref<512x32xf32, #tpu.memory_space<vmem>>) offsets(%dma_start3A_79 : memref<512xi32, #tpu.memory_space<vmem>>) semaphore(%arg24 : memref<!tpu.dma_semaphore, #tpu.memory_space<semaphore_mem>>)
    %dma_wait3A_83 = arith.constant 0 : i32
    %dma_wait3A_84 = arith.constant 0 : i32
    %dma_wait3A_85 = tpu.memref_slice %arg15[%dma_wait3A_83, %dma_wait3A_84] : memref<3x512xi32, #tpu.memory_space<vmem>> -> memref<1x512xi32, #tpu.memory_space<vmem>>
    %dma_wait3A_86 = tpu.memref_squeeze %dma_wait3A_85 : memref<1x512xi32, #tpu.memory_space<vmem>> -> memref<512xi32, #tpu.memory_space<vmem>>
    %dma_wait3A_87 = arith.constant 0 : i32
    %dma_wait3A_88 = arith.constant 0 : i32
    %dma_wait3A_89 = tpu.memref_slice %arg7[%dma_wait3A_87, %dma_wait3A_88] : memref<2x32xf32, #tpu.memory_space<hbm>> -> memref<2x32xf32, #tpu.memory_space<hbm>>
    tpu.wait_indirect_dma semaphore(%arg24 : memref<!tpu.dma_semaphore, #tpu.memory_space<semaphore_mem>>) src(%dma_wait3A_89 : memref<2x32xf32, #tpu.memory_space<hbm>>) dst(%arg19 : memref<512x32xf32, #tpu.memory_space<vmem>>)
    %dma_start3A_90 = arith.constant 0 : i32
    %dma_start3A_91 = tpu.memref_slice %arg10[%mul3A_2, %dma_start3A_90] : memref<16384x32xf32, #tpu.memory_space<hbm>> -> memref<512x32xf32, #tpu.memory_space<hbm>>
    %dma_start3A_92 = arith.constant 0 : i32
    %dma_start3A_93 = tpu.memref_slice %arg10[%mul3A_2, %dma_start3A_92] : memref<16384x32xf32, #tpu.memory_space<hbm>> -> memref<512x32xf32, #tpu.memory_space<hbm>>
    tpu.enqueue_dma source(%arg19 : memref<512x32xf32, #tpu.memory_space<vmem>>) target(%dma_start3A_93 : memref<512x32xf32, #tpu.memory_space<hbm>>) target_semaphore(%arg24 : memref<!tpu.dma_semaphore, #tpu.memory_space<semaphore_mem>>)
    %dma_start3A_94 = arith.constant 1 : i32
    %dma_start3A_95 = arith.constant 0 : i32
    %dma_start3A_96 = tpu.memref_slice %arg15[%dma_start3A_94, %dma_start3A_95] : memref<3x512xi32, #tpu.memory_space<vmem>> -> memref<1x512xi32, #tpu.memory_space<vmem>>
    %dma_start3A_97 = tpu.memref_squeeze %dma_start3A_96 : memref<1x512xi32, #tpu.memory_space<vmem>> -> memref<512xi32, #tpu.memory_space<vmem>>
    %dma_start3A_98 = arith.constant 0 : i32
    %dma_start3A_99 = arith.constant 0 : i32
    %dma_start3A_100 = tpu.memref_slice %arg8[%dma_start3A_98, %dma_start3A_99] : memref<1000000x32xf32, #tpu.memory_space<hbm>> -> memref<1000000x32xf32, #tpu.memory_space<hbm>>
    tpu.enqueue_indirect_dma source(%dma_start3A_100 : memref<1000000x32xf32, #tpu.memory_space<hbm>>) target(%arg18 : memref<512x32xf32, #tpu.memory_space<vmem>>) offsets(%dma_start3A_97 : memref<512xi32, #tpu.memory_space<vmem>>) semaphore(%arg23 : memref<!tpu.dma_semaphore, #tpu.memory_space<semaphore_mem>>)
    %dma_wait3A_101 = arith.constant 0 : i32
    %dma_wait3A_102 = tpu.memref_slice %arg10[%mul3A_2, %dma_wait3A_101] : memref<16384x32xf32, #tpu.memory_space<hbm>> -> memref<512x32xf32, #tpu.memory_space<hbm>>
    %dma_wait3A_103 = arith.constant 0 : i32
    %dma_wait3A_104 = tpu.memref_slice %arg10[%mul3A_2, %dma_wait3A_103] : memref<16384x32xf32, #tpu.memory_space<hbm>> -> memref<512x32xf32, #tpu.memory_space<hbm>>
    tpu.wait_dma2 semaphore(%arg24 : memref<!tpu.dma_semaphore, #tpu.memory_space<semaphore_mem>>) src(%arg19 : memref<512x32xf32, #tpu.memory_space<vmem>>) dst(%dma_wait3A_104 : memref<512x32xf32, #tpu.memory_space<hbm>>)
    %dma_start3A_105 = arith.constant 2 : i32
    %dma_start3A_106 = arith.constant 0 : i32
    %dma_start3A_107 = tpu.memref_slice %arg15[%dma_start3A_105, %dma_start3A_106] : memref<3x512xi32, #tpu.memory_space<vmem>> -> memref<1x512xi32, #tpu.memory_space<vmem>>
    %dma_start3A_108 = tpu.memref_squeeze %dma_start3A_107 : memref<1x512xi32, #tpu.memory_space<vmem>> -> memref<512xi32, #tpu.memory_space<vmem>>
    %dma_start3A_109 = arith.constant 0 : i32
    %dma_start3A_110 = arith.constant 0 : i32
    %dma_start3A_111 = tpu.memref_slice %arg9[%dma_start3A_109, %dma_start3A_110] : memref<100000x32xf32, #tpu.memory_space<hbm>> -> memref<100000x32xf32, #tpu.memory_space<hbm>>
    tpu.enqueue_indirect_dma source(%dma_start3A_111 : memref<100000x32xf32, #tpu.memory_space<hbm>>) target(%arg19 : memref<512x32xf32, #tpu.memory_space<vmem>>) offsets(%dma_start3A_108 : memref<512xi32, #tpu.memory_space<vmem>>) semaphore(%arg24 : memref<!tpu.dma_semaphore, #tpu.memory_space<semaphore_mem>>)
    %scan3A_112 = arith.constant 0 : i32
    %scan3A_113 = arith.constant 0 : i32
    %scan3A_114 = arith.constant 50 : i32
    %scan3A_115 = arith.addi %scan3A_113, %scan3A_114 : i32
    %scan3A_116 = arith.constant 1 : i32
    %scan3A_117 = scf.for %scan3A_168 = %scan3A_113 to %scan3A_115 step %scan3A_116 iter_args(%scan3A_169 = %scan3A_112) -> (i32)  : i32 {
      %dma_start3A_170 = arith.constant 0 : i32
      %dma_start3A_171 = tpu.memref_slice %arg16[%scan3A_168, %dma_start3A_170] : memref<50x512xi32, #tpu.memory_space<vmem>> -> memref<1x512xi32, #tpu.memory_space<vmem>>
      %dma_start3A_172 = tpu.memref_squeeze %dma_start3A_171 : memref<1x512xi32, #tpu.memory_space<vmem>> -> memref<512xi32, #tpu.memory_space<vmem>>
      %dma_start3A_173 = arith.constant 0 : i32
      %dma_start3A_174 = arith.constant 0 : i32
      %dma_start3A_175 = tpu.memref_slice %arg8[%dma_start3A_173, %dma_start3A_174] : memref<1000000x32xf32, #tpu.memory_space<hbm>> -> memref<1000000x32xf32, #tpu.memory_space<hbm>>
      tpu.enqueue_indirect_dma source(%dma_start3A_175 : memref<1000000x32xf32, #tpu.memory_space<hbm>>) target(%arg20 : memref<512x32xf32, #tpu.memory_space<vmem>>) offsets(%dma_start3A_172 : memref<512xi32, #tpu.memory_space<vmem>>) semaphore(%arg25 : memref<!tpu.dma_semaphore, #tpu.memory_space<semaphore_mem>>) {add = true}
      %scan3A_176 = arith.constant 0 : i32
      scf.yield %scan3A_176 : i32
    }
    %scan3A_118 = arith.constant 50 : i32
    %scan3A_119 = arith.constant 0 : i32
    %scan3A_120 = arith.constant 0 : i32
    %scan3A_121 = arith.constant 50 : i32
    %scan3A_122 = arith.addi %scan3A_120, %scan3A_121 : i32
    %scan3A_123 = arith.constant 1 : i32
    %scan3A_124 = scf.for %scan3A_168 = %scan3A_120 to %scan3A_122 step %scan3A_123 iter_args(%scan3A_169 = %scan3A_119) -> (i32)  : i32 {
      %dma_start3A_170 = arith.constant 0 : i32
      %dma_start3A_171 = tpu.memref_slice %arg17[%scan3A_168, %dma_start3A_170] : memref<50x512xi32, #tpu.memory_space<vmem>> -> memref<1x512xi32, #tpu.memory_space<vmem>>
      %dma_start3A_172 = tpu.memref_squeeze %dma_start3A_171 : memref<1x512xi32, #tpu.memory_space<vmem>> -> memref<512xi32, #tpu.memory_space<vmem>>
      %dma_start3A_173 = arith.constant 0 : i32
      %dma_start3A_174 = arith.constant 0 : i32
      %dma_start3A_175 = tpu.memref_slice %arg9[%dma_start3A_173, %dma_start3A_174] : memref<100000x32xf32, #tpu.memory_space<hbm>> -> memref<100000x32xf32, #tpu.memory_space<hbm>>
      tpu.enqueue_indirect_dma source(%dma_start3A_175 : memref<100000x32xf32, #tpu.memory_space<hbm>>) target(%arg21 : memref<512x32xf32, #tpu.memory_space<vmem>>) offsets(%dma_start3A_172 : memref<512xi32, #tpu.memory_space<vmem>>) semaphore(%arg26 : memref<!tpu.dma_semaphore, #tpu.memory_space<semaphore_mem>>) {add = true}
      %scan3A_176 = arith.constant 0 : i32
      scf.yield %scan3A_176 : i32
    }
    %scan3A_125 = arith.constant 50 : i32
    %dma_wait3A_126 = arith.constant 1 : i32
    %dma_wait3A_127 = arith.constant 0 : i32
    %dma_wait3A_128 = tpu.memref_slice %arg15[%dma_wait3A_126, %dma_wait3A_127] : memref<3x512xi32, #tpu.memory_space<vmem>> -> memref<1x512xi32, #tpu.memory_space<vmem>>
    %dma_wait3A_129 = tpu.memref_squeeze %dma_wait3A_128 : memref<1x512xi32, #tpu.memory_space<vmem>> -> memref<512xi32, #tpu.memory_space<vmem>>
    %dma_wait3A_130 = arith.constant 0 : i32
    %dma_wait3A_131 = arith.constant 0 : i32
    %dma_wait3A_132 = tpu.memref_slice %arg8[%dma_wait3A_130, %dma_wait3A_131] : memref<1000000x32xf32, #tpu.memory_space<hbm>> -> memref<1000000x32xf32, #tpu.memory_space<hbm>>
    tpu.wait_indirect_dma semaphore(%arg23 : memref<!tpu.dma_semaphore, #tpu.memory_space<semaphore_mem>>) src(%dma_wait3A_132 : memref<1000000x32xf32, #tpu.memory_space<hbm>>) dst(%arg18 : memref<512x32xf32, #tpu.memory_space<vmem>>)
    "tpu.region"() ({
      %run_scoped3A = tpu.sem_alloc : memref<!tpu.dma_semaphore, #tpu.memory_space<semaphore_mem>>
      %dma_start3A_168 = arith.constant 0 : i32
      %dma_start3A_169 = tpu.memref_slice %arg11[%mul3A_2, %dma_start3A_168] : memref<16384x32xf32, #tpu.memory_space<hbm>> -> memref<512x32xf32, #tpu.memory_space<hbm>>
      %dma_start3A_170 = arith.constant 0 : i32
      %dma_start3A_171 = tpu.memref_slice %arg11[%mul3A_2, %dma_start3A_170] : memref<16384x32xf32, #tpu.memory_space<hbm>> -> memref<512x32xf32, #tpu.memory_space<hbm>>
      tpu.enqueue_dma source(%arg18 : memref<512x32xf32, #tpu.memory_space<vmem>>) target(%dma_start3A_171 : memref<512x32xf32, #tpu.memory_space<hbm>>) target_semaphore(%run_scoped3A : memref<!tpu.dma_semaphore, #tpu.memory_space<semaphore_mem>>)
      %dma_wait3A_172 = arith.constant 0 : i32
      %dma_wait3A_173 = tpu.memref_slice %arg11[%mul3A_2, %dma_wait3A_172] : memref<16384x32xf32, #tpu.memory_space<hbm>> -> memref<512x32xf32, #tpu.memory_space<hbm>>
      %dma_wait3A_174 = arith.constant 0 : i32
      %dma_wait3A_175 = tpu.memref_slice %arg11[%mul3A_2, %dma_wait3A_174] : memref<16384x32xf32, #tpu.memory_space<hbm>> -> memref<512x32xf32, #tpu.memory_space<hbm>>
      tpu.wait_dma2 semaphore(%run_scoped3A : memref<!tpu.dma_semaphore, #tpu.memory_space<semaphore_mem>>) src(%arg18 : memref<512x32xf32, #tpu.memory_space<vmem>>) dst(%dma_wait3A_175 : memref<512x32xf32, #tpu.memory_space<hbm>>)
      tpu.yield
    }) : () -> ()
    %dma_wait3A_133 = arith.constant 2 : i32
    %dma_wait3A_134 = arith.constant 0 : i32
    %dma_wait3A_135 = tpu.memref_slice %arg15[%dma_wait3A_133, %dma_wait3A_134] : memref<3x512xi32, #tpu.memory_space<vmem>> -> memref<1x512xi32, #tpu.memory_space<vmem>>
    %dma_wait3A_136 = tpu.memref_squeeze %dma_wait3A_135 : memref<1x512xi32, #tpu.memory_space<vmem>> -> memref<512xi32, #tpu.memory_space<vmem>>
    %dma_wait3A_137 = arith.constant 0 : i32
    %dma_wait3A_138 = arith.constant 0 : i32
    %dma_wait3A_139 = tpu.memref_slice %arg9[%dma_wait3A_137, %dma_wait3A_138] : memref<100000x32xf32, #tpu.memory_space<hbm>> -> memref<100000x32xf32, #tpu.memory_space<hbm>>
    tpu.wait_indirect_dma semaphore(%arg24 : memref<!tpu.dma_semaphore, #tpu.memory_space<semaphore_mem>>) src(%dma_wait3A_139 : memref<100000x32xf32, #tpu.memory_space<hbm>>) dst(%arg19 : memref<512x32xf32, #tpu.memory_space<vmem>>)
    "tpu.region"() ({
      %run_scoped3A = tpu.sem_alloc : memref<!tpu.dma_semaphore, #tpu.memory_space<semaphore_mem>>
      %dma_start3A_168 = arith.constant 0 : i32
      %dma_start3A_169 = tpu.memref_slice %arg12[%mul3A_2, %dma_start3A_168] : memref<16384x32xf32, #tpu.memory_space<hbm>> -> memref<512x32xf32, #tpu.memory_space<hbm>>
      %dma_start3A_170 = arith.constant 0 : i32
      %dma_start3A_171 = tpu.memref_slice %arg12[%mul3A_2, %dma_start3A_170] : memref<16384x32xf32, #tpu.memory_space<hbm>> -> memref<512x32xf32, #tpu.memory_space<hbm>>
      tpu.enqueue_dma source(%arg19 : memref<512x32xf32, #tpu.memory_space<vmem>>) target(%dma_start3A_171 : memref<512x32xf32, #tpu.memory_space<hbm>>) target_semaphore(%run_scoped3A : memref<!tpu.dma_semaphore, #tpu.memory_space<semaphore_mem>>)
      %dma_wait3A_172 = arith.constant 0 : i32
      %dma_wait3A_173 = tpu.memref_slice %arg12[%mul3A_2, %dma_wait3A_172] : memref<16384x32xf32, #tpu.memory_space<hbm>> -> memref<512x32xf32, #tpu.memory_space<hbm>>
      %dma_wait3A_174 = arith.constant 0 : i32
      %dma_wait3A_175 = tpu.memref_slice %arg12[%mul3A_2, %dma_wait3A_174] : memref<16384x32xf32, #tpu.memory_space<hbm>> -> memref<512x32xf32, #tpu.memory_space<hbm>>
      tpu.wait_dma2 semaphore(%run_scoped3A : memref<!tpu.dma_semaphore, #tpu.memory_space<semaphore_mem>>) src(%arg19 : memref<512x32xf32, #tpu.memory_space<vmem>>) dst(%dma_wait3A_175 : memref<512x32xf32, #tpu.memory_space<hbm>>)
      tpu.yield
    }) : () -> ()
    %scan3A_140 = arith.constant 0 : i32
    %scan3A_141 = arith.constant 0 : i32
    %scan3A_142 = arith.constant 50 : i32
    %scan3A_143 = arith.addi %scan3A_141, %scan3A_142 : i32
    %scan3A_144 = arith.constant 1 : i32
    %scan3A_145 = scf.for %scan3A_168 = %scan3A_141 to %scan3A_143 step %scan3A_144 iter_args(%scan3A_169 = %scan3A_140) -> (i32)  : i32 {
      %dma_wait3A_170 = arith.constant 0 : i32
      %dma_wait3A_171 = tpu.memref_slice %arg13[%mul3A_2, %dma_wait3A_170] : memref<16384x32xf32, #tpu.memory_space<hbm>> -> memref<512x32xf32, #tpu.memory_space<hbm>>
      %dma_wait3A_172 = arith.constant 0 : i32
      %dma_wait3A_173 = tpu.memref_slice %arg13[%mul3A_2, %dma_wait3A_172] : memref<16384x32xf32, #tpu.memory_space<hbm>> -> memref<512x32xf32, #tpu.memory_space<hbm>>
      tpu.wait_dma2 semaphore(%arg25 : memref<!tpu.dma_semaphore, #tpu.memory_space<semaphore_mem>>) src(%dma_wait3A_173 : memref<512x32xf32, #tpu.memory_space<hbm>>) dst(%arg20 : memref<512x32xf32, #tpu.memory_space<vmem>>)
      %scan3A_174 = arith.constant 0 : i32
      scf.yield %scan3A_174 : i32
    }
    %scan3A_146 = arith.constant 50 : i32
    %scan3A_147 = arith.constant 0 : i32
    %scan3A_148 = arith.constant 0 : i32
    %scan3A_149 = arith.constant 512 : i32
    %scan3A_150 = arith.addi %scan3A_148, %scan3A_149 : i32
    %scan3A_151 = arith.constant 1 : i32
    %scan3A_152 = scf.for %scan3A_168 = %scan3A_148 to %scan3A_150 step %scan3A_151 iter_args(%scan3A_169 = %scan3A_147) -> (i32)  : i32 {
      %get3A = arith.index_cast %scan3A_168 : i32 to index
      %get3A_170 = arith.constant 0 : index
      %get3A_171 = tpu.vector_load %arg20[%get3A, %get3A_170] {strides = array<i32>} : memref<512x32xf32, #tpu.memory_space<vmem>>, vector<1x16xf32>,
      %get3A_172 = vector.shape_cast %get3A_171 : vector<1x16xf32> to vector<16xf32>
      %mul3A_173 = arith.constant 2.000000e-02 : f32
      %mul3A_174 = vector.broadcast %mul3A_173 : f32 to vector<16xf32>
      %mul3A_175 = arith.mulf %get3A_172, %mul3A_174 : vector<16xf32>
      %swap3A = arith.index_cast %scan3A_168 : i32 to index
      %swap3A_176 = arith.constant 0 : index
      %swap3A_177 = tpu.vector_load %arg20[%swap3A, %swap3A_176] {strides = array<i32>} : memref<512x32xf32, #tpu.memory_space<vmem>>, vector<1x16xf32>,
      %swap3A_178 = vector.shape_cast %swap3A_177 : vector<1x16xf32> to vector<16xf32>
      %swap3A_179 = vector.shape_cast %mul3A_175 : vector<16xf32> to vector<1x16xf32>
      tpu.vector_store %arg20[%swap3A, %swap3A_176], %swap3A_179 {strides = array<i32>} : memref<512x32xf32, #tpu.memory_space<vmem>>, vector<1x16xf32>,
      %get3A_180 = arith.index_cast %scan3A_168 : i32 to index
      %get3A_181 = arith.constant 16 : index
      %get3A_182 = tpu.vector_load %arg20[%get3A_180, %get3A_181] {strides = array<i32>} : memref<512x32xf32, #tpu.memory_space<vmem>>, vector<1x16xf32>,
      %get3A_183 = vector.shape_cast %get3A_182 : vector<1x16xf32> to vector<16xf32>
      %mul3A_184 = arith.constant 2.000000e-02 : f32
      %mul3A_185 = vector.broadcast %mul3A_184 : f32 to vector<16xf32>
      %mul3A_186 = arith.mulf %get3A_183, %mul3A_185 : vector<16xf32>
      %swap3A_187 = arith.index_cast %scan3A_168 : i32 to index
      %swap3A_188 = arith.constant 16 : index
      %swap3A_189 = tpu.vector_load %arg20[%swap3A_187, %swap3A_188] {strides = array<i32>} : memref<512x32xf32, #tpu.memory_space<vmem>>, vector<1x16xf32>,
      %swap3A_190 = vector.shape_cast %swap3A_189 : vector<1x16xf32> to vector<16xf32>
      %swap3A_191 = vector.shape_cast %mul3A_186 : vector<16xf32> to vector<1x16xf32>
      tpu.vector_store %arg20[%swap3A_187, %swap3A_188], %swap3A_191 {strides = array<i32>} : memref<512x32xf32, #tpu.memory_space<vmem>>, vector<1x16xf32>,
      %scan3A_192 = arith.constant 0 : i32
      scf.yield %scan3A_192 : i32
    }
    %scan3A_153 = arith.constant 512 : i32
    "tpu.region"() ({
      %run_scoped3A = tpu.sem_alloc : memref<!tpu.dma_semaphore, #tpu.memory_space<semaphore_mem>>
      %dma_start3A_168 = arith.constant 0 : i32
      %dma_start3A_169 = tpu.memref_slice %arg13[%mul3A_2, %dma_start3A_168] : memref<16384x32xf32, #tpu.memory_space<hbm>> -> memref<512x32xf32, #tpu.memory_space<hbm>>
      %dma_start3A_170 = arith.constant 0 : i32
      %dma_start3A_171 = tpu.memref_slice %arg13[%mul3A_2, %dma_start3A_170] : memref<16384x32xf32, #tpu.memory_space<hbm>> -> memref<512x32xf32, #tpu.memory_space<hbm>>
      tpu.enqueue_dma source(%arg20 : memref<512x32xf32, #tpu.memory_space<vmem>>) target(%dma_start3A_171 : memref<512x32xf32, #tpu.memory_space<hbm>>) target_semaphore(%run_scoped3A : memref<!tpu.dma_semaphore, #tpu.memory_space<semaphore_mem>>)
      %dma_wait3A_172 = arith.constant 0 : i32
      %dma_wait3A_173 = tpu.memref_slice %arg13[%mul3A_2, %dma_wait3A_172] : memref<16384x32xf32, #tpu.memory_space<hbm>> -> memref<512x32xf32, #tpu.memory_space<hbm>>
      %dma_wait3A_174 = arith.constant 0 : i32
      %dma_wait3A_175 = tpu.memref_slice %arg13[%mul3A_2, %dma_wait3A_174] : memref<16384x32xf32, #tpu.memory_space<hbm>> -> memref<512x32xf32, #tpu.memory_space<hbm>>
      tpu.wait_dma2 semaphore(%run_scoped3A : memref<!tpu.dma_semaphore, #tpu.memory_space<semaphore_mem>>) src(%arg20 : memref<512x32xf32, #tpu.memory_space<vmem>>) dst(%dma_wait3A_175 : memref<512x32xf32, #tpu.memory_space<hbm>>)
      tpu.yield
    }) : () -> ()
    %scan3A_154 = arith.constant 0 : i32
    %scan3A_155 = arith.constant 0 : i32
    %scan3A_156 = arith.constant 50 : i32
    %scan3A_157 = arith.addi %scan3A_155, %scan3A_156 : i32
    %scan3A_158 = arith.constant 1 : i32
    %scan3A_159 = scf.for %scan3A_168 = %scan3A_155 to %scan3A_157 step %scan3A_158 iter_args(%scan3A_169 = %scan3A_154) -> (i32)  : i32 {
      %dma_wait3A_170 = arith.constant 0 : i32
      %dma_wait3A_171 = tpu.memref_slice %arg13[%mul3A_2, %dma_wait3A_170] : memref<16384x32xf32, #tpu.memory_space<hbm>> -> memref<512x32xf32, #tpu.memory_space<hbm>>
      %dma_wait3A_172 = arith.constant 0 : i32
      %dma_wait3A_173 = tpu.memref_slice %arg13[%mul3A_2, %dma_wait3A_172] : memref<16384x32xf32, #tpu.memory_space<hbm>> -> memref<512x32xf32, #tpu.memory_space<hbm>>
      tpu.wait_dma2 semaphore(%arg26 : memref<!tpu.dma_semaphore, #tpu.memory_space<semaphore_mem>>) src(%dma_wait3A_173 : memref<512x32xf32, #tpu.memory_space<hbm>>) dst(%arg21 : memref<512x32xf32, #tpu.memory_space<vmem>>)
      %scan3A_174 = arith.constant 0 : i32
      scf.yield %scan3A_174 : i32
    }
    %scan3A_160 = arith.constant 50 : i32
    %scan3A_161 = arith.constant 0 : i32
    %scan3A_162 = arith.constant 0 : i32
    %scan3A_163 = arith.constant 512 : i32
    %scan3A_164 = arith.addi %scan3A_162, %scan3A_163 : i32
    %scan3A_165 = arith.constant 1 : i32
    %scan3A_166 = scf.for %scan3A_168 = %scan3A_162 to %scan3A_164 step %scan3A_165 iter_args(%scan3A_169 = %scan3A_161) -> (i32)  : i32 {
      %get3A = arith.index_cast %scan3A_168 : i32 to index
      %get3A_170 = arith.constant 0 : index
      %get3A_171 = tpu.vector_load %arg21[%get3A, %get3A_170] {strides = array<i32>} : memref<512x32xf32, #tpu.memory_space<vmem>>, vector<1x16xf32>,
      %get3A_172 = vector.shape_cast %get3A_171 : vector<1x16xf32> to vector<16xf32>
      %mul3A_173 = arith.constant 2.000000e-02 : f32
      %mul3A_174 = vector.broadcast %mul3A_173 : f32 to vector<16xf32>
      %mul3A_175 = arith.mulf %get3A_172, %mul3A_174 : vector<16xf32>
      %swap3A = arith.index_cast %scan3A_168 : i32 to index
      %swap3A_176 = arith.constant 0 : index
      %swap3A_177 = tpu.vector_load %arg21[%swap3A, %swap3A_176] {strides = array<i32>} : memref<512x32xf32, #tpu.memory_space<vmem>>, vector<1x16xf32>,
      %swap3A_178 = vector.shape_cast %swap3A_177 : vector<1x16xf32> to vector<16xf32>
      %swap3A_179 = vector.shape_cast %mul3A_175 : vector<16xf32> to vector<1x16xf32>
      tpu.vector_store %arg21[%swap3A, %swap3A_176], %swap3A_179 {strides = array<i32>} : memref<512x32xf32, #tpu.memory_space<vmem>>, vector<1x16xf32>,
      %get3A_180 = arith.index_cast %scan3A_168 : i32 to index
      %get3A_181 = arith.constant 16 : index
      %get3A_182 = tpu.vector_load %arg21[%get3A_180, %get3A_181] {strides = array<i32>} : memref<512x32xf32, #tpu.memory_space<vmem>>, vector<1x16xf32>,
      %get3A_183 = vector.shape_cast %get3A_182 : vector<1x16xf32> to vector<16xf32>
      %mul3A_184 = arith.constant 2.000000e-02 : f32
      %mul3A_185 = vector.broadcast %mul3A_184 : f32 to vector<16xf32>
      %mul3A_186 = arith.mulf %get3A_183, %mul3A_185 : vector<16xf32>
      %swap3A_187 = arith.index_cast %scan3A_168 : i32 to index
      %swap3A_188 = arith.constant 16 : index
      %swap3A_189 = tpu.vector_load %arg21[%swap3A_187, %swap3A_188] {strides = array<i32>} : memref<512x32xf32, #tpu.memory_space<vmem>>, vector<1x16xf32>,
      %swap3A_190 = vector.shape_cast %swap3A_189 : vector<1x16xf32> to vector<16xf32>
      %swap3A_191 = vector.shape_cast %mul3A_186 : vector<16xf32> to vector<1x16xf32>
      tpu.vector_store %arg21[%swap3A_187, %swap3A_188], %swap3A_191 {strides = array<i32>} : memref<512x32xf32, #tpu.memory_space<vmem>>, vector<1x16xf32>,
      %scan3A_192 = arith.constant 0 : i32
      scf.yield %scan3A_192 : i32
    }
    %scan3A_167 = arith.constant 512 : i32
    "tpu.region"() ({
      %run_scoped3A = tpu.sem_alloc : memref<!tpu.dma_semaphore, #tpu.memory_space<semaphore_mem>>
      %dma_start3A_168 = arith.constant 0 : i32
      %dma_start3A_169 = tpu.memref_slice %arg14[%mul3A_2, %dma_start3A_168] : memref<16384x32xf32, #tpu.memory_space<hbm>> -> memref<512x32xf32, #tpu.memory_space<hbm>>
      %dma_start3A_170 = arith.constant 0 : i32
      %dma_start3A_171 = tpu.memref_slice %arg14[%mul3A_2, %dma_start3A_170] : memref<16384x32xf32, #tpu.memory_space<hbm>> -> memref<512x32xf32, #tpu.memory_space<hbm>>
      tpu.enqueue_dma source(%arg21 : memref<512x32xf32, #tpu.memory_space<vmem>>) target(%dma_start3A_171 : memref<512x32xf32, #tpu.memory_space<hbm>>) target_semaphore(%run_scoped3A : memref<!tpu.dma_semaphore, #tpu.memory_space<semaphore_mem>>)
      %dma_wait3A_172 = arith.constant 0 : i32
      %dma_wait3A_173 = tpu.memref_slice %arg14[%mul3A_2, %dma_wait3A_172] : memref<16384x32xf32, #tpu.memory_space<hbm>> -> memref<512x32xf32, #tpu.memory_space<hbm>>
      %dma_wait3A_174 = arith.constant 0 : i32
      %dma_wait3A_175 = tpu.memref_slice %arg14[%mul3A_2, %dma_wait3A_174] : memref<16384x32xf32, #tpu.memory_space<hbm>> -> memref<512x32xf32, #tpu.memory_space<hbm>>
      tpu.wait_dma2 semaphore(%run_scoped3A : memref<!tpu.dma_semaphore, #tpu.memory_space<semaphore_mem>>) src(%arg21 : memref<512x32xf32, #tpu.memory_space<vmem>>) dst(%dma_wait3A_175 : memref<512x32xf32, #tpu.memory_space<hbm>>)
      tpu.yield
    }) : () -> ()
    return
  }
}

</mosaic_0001>

<sc_bundles>
// kernel: _run.4.cloned.1.call-start
scs
__scs_entry_jumppad:
0x0: {  	(pc) =	sbr.rel $0x88, $3  }
0x1: {  	(tag) =	ssettag $0x0;
	lr =	simm.s32 $0x1  }
0x2: {  	[smem:$0x3F97] =	sst lr;
	_ =	strace $0xD0000000  }
0x3: {  	_ = 	snop  }
0x4: {  	_ = 	snop  }
0x5: {  	_ = 	snop  }
0x6: {  	_ = 	snop  }
0x7: {  	_ = 	snop  }
__scs_overlays_trampoline_lowered:
0x8: {  	[smem:$0x3FA6] =	sst s0  }
0x9: {  	[smem:$0x3FA7] =	sst s1  }
0xa: {  	[smem:$0x3FA8] =	sst s2  }
0xb: {  	[smem:$0x3FA9] =	sst s3  }
0xc: {  	[smem:$0x3FAA] =	sst s4  }
0xd: {  	[smem:$0x3FAB] =	sst s5  }
0xe: {  	[smem:$0x3FAC] =	sst s6  }
0xf: {  	[smem:$0x3FAD] =	sst s7  }
0x10: {  	[smem:$0x3FAE] =	sst s8  }
0x11: {  	[smem:$0x3FAF] =	sst s9;
	s0 =	simm.s32 @!p0 $0x0  }
0x12: {  	s1 =	sld [smem:$0x3F95];
	s0 =	simm.s32 @p0 $0x1  }
0x13: {  	[smem:$0x3FB0] =	sst s0;
	s0 =	simm.s32 @!p1 $0x0  }
0x14: {  	s2 =	sld [smem:$0x3F94];
	s0 =	simm.s32 @p1 $0x1  }
0x15: {  	[smem:$0x3FB1] =	sst s0;
	s0 =	simm.s32 @!p2 $0x0  }
0x16: {  	s3 =	sld [smem:$0x3FDB];
	s0 =	simm.s32 @p2 $0x1  }
0x17: {  	s4 =	simm.s32 $0x1BF5;
	[smem:$0x3FB3] =	sst s0  }
0x18: {  	s0 =	sld [smem:$0x3F96];
	_ =	swait.ge [sflag:s4], $0x0  }
0x19: {  	s7 =	sld [smem:$0x3F97]  }
0x1a: {  	s8 =	sadd.s32 $0xFFFFE003, lr  }
0x1b: {  	s9 =	sadd.s32 $0xFFFFFEF7, lr;
	s5 =	simm.s32 $0xFFFFFFFF;
	p2 =	slt.u32 s8, $0xFFFFF086  }
0x1c: {  	p1 =	slt.u32 s9, $0xF7A;
	s5 =	simm.s32 @!p2 $0x0  }
0x1d: {  	s5 =	simm.s32 @p1 $0x1;
	p0 =	seq.s32 s7, s2  }
0x1e: {  	s7 =	smul.u32 @!p0 $0xF7A, s2;
	p2 =	seq.s32 @!p0 s5, $0x0  }
0x1f: {  	s9 =	smul.u32 $0xF7A, s1;
	s8 =	simm.s32 @!p0 $0x1BF5;
	p2 =	por !p2, p0  }
0x20: {  	[sflag:s8] =	ssyncset.s32 @!p0 $0xFFFFF086;
	s6 =	sadd.s32 @!p0 s3, s7;
	s7 =	simm.s32 @!p0 $0x108  }
0x21: {  	s3 =	sadd.s32 s3, s9;
	s6 =	sadd.s32 @!p0 $0x88, s6;
	s7 =	simm.s32 @p2 $0x1082  }
0x22: {  	[simem:s7], [sflag:s8] =	dma.local @!p0 [hbm:s6], $0xF7A  }
0x23: {  	s9 =	sor.u32 $0xD0000000, s2;
	s6 =	simm.s32 $0x108;
	_ =	swait.ge @!p0 [sflag:s8], $0x0  }
0x24: {  	s3 =	sadd.s32 $0x88, s3;
	s6 =	simm.s32 @!p1 $0x1082;
	[sflag:s4] =	ssyncset.s32 $0xFFFFF086  }
0x25: {  	[simem:s6], [sflag:s4] =	dma.local [hbm:s3], $0xF7A  }
0x26: {  	[smem:$0x3F97] =	sst s1;
	(tag) =	ssettag s2;
	_ =	strace s9  }
0x27: {  	s1 =	sld [smem:$0x3FA7]  }
0x28: {  	s2 =	sld [smem:$0x3FA8]  }
0x29: {  	s4 =	sld [smem:$0x3FAA]  }
0x2a: {  	p0 =	seq.s32 s5, $0x0;
	s5 =	sld [smem:$0x3FAB]  }
0x2b: {  	s6 =	sld [smem:$0x3FAC]  }
0x2c: {  	s7 =	sld [smem:$0x3FAD]  }
0x2d: {  	s3 =	simm.s32 $0x108;
	s8 =	sld [smem:$0x3FAE]  }
0x2e: {  	s3 =	simm.s32 @!p0 $0x1082;
	s9 =	sld [smem:$0x3FAF]  }
0x2f: {  	lr =	sadd.s32 s0, s3;
	s0 =	sld [smem:$0x3FA6]  }
0x30: {  	s3 =	sld [smem:$0x3FA9]  }
0x31: {  	[smem:$0x3FB2] =	sst s10  }
0x32: {  	s10 =	sld [smem:$0x3FB0];
	_ =	sdelay $0x3  }
0x33: {  	p0 =	seq.s32 s10, $0x1;
	s10 =	sld [smem:$0x3FB2];
	_ =	sdelay $0x3  }
0x34: {  	[smem:$0x3FB2] =	sst s10  }
0x35: {  	s10 =	sld [smem:$0x3FB1];
	_ =	sdelay $0x3  }
0x36: {  	p1 =	seq.s32 s10, $0x1;
	s10 =	sld [smem:$0x3FB2];
	_ =	sdelay $0x3  }
0x37: {  	[smem:$0x3FB2] =	sst s10  }
0x38: {  	s10 =	sld [smem:$0x3FB3]  }
0x39: {  	_ = 	snop;
	(pc) =	sbr.ind lr, $3  }
0x3a: {  	_ = 	snop  }
0x3b: {  	_ = 	snop  }
0x3c: {  	p2 =	seq.s32 s10, $0x1;
	s10 =	sld [smem:$0x3FB2]  }
0x3d: {  	_ =	shalt  }
0x3e: {  	_ =	shalt  }
0x3f: {  	_ =	shalt  }
0x40: {  	_ =	shalt  }
0x41: {  	_ =	shalt  }
0x42: {  	_ =	shalt  }
0x43: {  	_ =	shalt  }
0x44: {  	_ =	shalt  }
0x45: {  	_ =	shalt  }
0x46: {  	_ =	shalt  }
0x47: {  	_ =	shalt  }
0x48: {  	_ =	shalt  }
0x49: {  	_ =	shalt  }
0x4a: {  	_ =	shalt  }
0x4b: {  	_ =	shalt  }
0x4c: {  	_ =	shalt  }
0x4d: {  	_ =	shalt  }
0x4e: {  	_ =	shalt  }
0x4f: {  	_ =	shalt  }
0x50: {  	_ =	shalt  }
0x51: {  	_ =	shalt  }
0x52: {  	_ =	shalt  }
0x53: {  	_ =	shalt  }
0x54: {  	_ =	shalt  }
0x55: {  	_ =	shalt  }
0x56: {  	_ =	shalt  }
0x57: {  	_ =	shalt  }
0x58: {  	_ =	shalt  }
0x59: {  	_ =	shalt  }
0x5a: {  	_ =	shalt  }
0x5b: {  	_ =	shalt  }
0x5c: {  	_ =	shalt  }
0x5d: {  	_ =	shalt  }
0x5e: {  	_ =	shalt  }
0x5f: {  	_ =	shalt  }
0x60: {  	_ =	shalt  }
0x61: {  	_ =	shalt  }
0x62: {  	_ =	shalt  }
0x63: {  	_ =	shalt  }
0x64: {  	_ =	shalt  }
0x65: {  	_ =	shalt  }
0x66: {  	_ =	shalt  }
0x67: {  	_ =	shalt  }
0x68: {  	_ =	shalt  }
0x69: {  	_ =	shalt  }
0x6a: {  	_ =	shalt  }
0x6b: {  	_ =	shalt  }
0x6c: {  	_ =	shalt  }
0x6d: {  	_ =	shalt  }
0x6e: {  	_ =	shalt  }
0x6f: {  	_ =	shalt  }
0x70: {  	_ =	shalt  }
0x71: {  	_ =	shalt  }
0x72: {  	_ =	shalt  }
0x73: {  	_ =	shalt  }
0x74: {  	_ =	shalt  }
0x75: {  	_ =	shalt  }
0x76: {  	_ =	shalt  }
0x77: {  	_ =	shalt  }
0x78: {  	_ =	shalt  }
0x79: {  	_ =	shalt  }
0x7a: {  	_ =	shalt  }
0x7b: {  	_ =	shalt  }
0x7c: {  	_ =	shalt  }
0x7d: {  	_ =	shalt  }
0x7e: {  	_ =	shalt  }
0x7f: {  	_ =	shalt  }
0x80: {  	_ =	shalt  }
0x81: {  	_ =	shalt  }
0x82: {  	_ =	shalt  }
0x83: {  	_ =	shalt  }
0x84: {  	_ =	shalt  }
0x85: {  	_ =	shalt  }
0x86: {  	_ =	shalt  }
0x87: {  	_ =	shalt  }
.Lfunc_end0:
.L_simem_size_0:
called_computation_lowered:
.L_overlay_start_0:
0x88: {  	s2 =	sld [smem:$0x3FD9]  }
0x89: {  	s3 =	sld [smem:$0x3FFE];
	_ =	sdelay $0x1  }
0x8a: {  	s1 =	srdreg.scid  }
0x8b: {  	s0 =	sand.u32 $0x1, s1  }
0x8c: {  	s17 =	sshll.u32 s0, $0xA;
	s2 =	sadd.s32 s3, s2  }
0x8d: {  	s2 =	sadd.s32 s2, s17  }
0x8e: {  	[smem:$0x3FBE] =	sst s2  }
0x8f: {  	_ = 	snop  }
0x90: {  	s18 =	sld [smem:$0x3FC8]  }
0x91: {  	s4 =	sld [smem:$0x3FC7]  }
0x92: {  	s5 =	sld [smem:$0x3FC6]  }
0x93: {  	s6 =	sld [smem:$0x3FC5]  }
0x94: {  	s7 =	sld [smem:$0x3FC4];
	(tm) =	ssettm $0x1  }
0x95: {  	s19 =	sld [smem:$0x3FFB];
	_ =	sdelay $0x3  }
0x96: {  	_ =	strace s19  }
0x97: {  	s2 =	sld [smem:$0x3FFC];
	_ =	sdelay $0x3  }
0x98: {  	_ =	strace s2  }
0x99: {  	s2 =	sld [smem:$0x3FFD];
	_ =	sdelay $0x3  }
0x9a: {  	_ =	strace s2  }
0x9b: {  	_ =	strace $0x8FFFFFFF  }
0x9c: {  	s20 =	sld [smem:$0x3FDB];
	_ =	sdelay $0x1  }
0x9d: {  	s8 =	simm.s32 $_scs_section_size  }
0x9e: {  	s9 =	simm.s32 $_size__tile_overlayer_lowered;
	s10 =	simm.s32 $_tile_overlayer_lowered  }
0x9f: {  	s11 =	simm.s32 $0x1BFF;
	s21 =	sshll.u32 s10, $0x1;
	s8 =	sadd.s32 s8, s20  }
0xa0: {  	s22 =	simm.s32 $0x0;
	s9 =	sshll.u32 s9, $0x1;
	s10 =	sadd.s32 s21, s8  }
0xa1: {  	[timem:s22], [sflag:s11] =	dma.local [hbm:s10], s9  }
0xa2: {  	_ =	swait.ge [sflag:s11], s9  }
0xa3: {  	s9 =	ssub.s32 $0x0, s9;
	[sflag:s11] =	ssyncset.done $0x0  }
0xa4: {  	[sflag:s11] =	ssyncadd.s32 s9;
	_ =	sdelay $0x1  }
0xa5: {  	s23 =	simm.s32 $0x1B8B  }
0xa6: {  	_ =	swait.ge [sflag:s23], $0x1  }
0xa7: {  	[sflag:s23] =	ssyncset.done $0x0  }
0xa8: {  	[sflag:s23] =	ssyncadd.s32 $0xFFFFFFFF  }
0xa9: {  	s9 =	sld [smem:$0x0]  }
0xaa: {  	s10 =	sand.u32 $0xFFFFFFFE, s1  }
0xab: {  	p0 =	sne.s32 s1, s10  }
0xac: {  	s10 =	sshll.u32 @p0 s10, $0xE  }
0xad: {  	s10 =	sadd.s32 @p0 $0x11B8D, s10;
	s11 =	sshll.u32 @p0 s9, $0x11  }
0xae: {  	s10 =	sor.u32 @p0 s11, s10  }
0xaf: {  	[sflag:s10] =	ssyncadd.remote.s32 @p0 $0x1;
	_ =	sdelay $0x1  }
0xb0: {  	s10 =	simm.s32 @p0 $0x1B8D  }
0xb1: {  	_ =	swait.eq @p0 [sflag:s10], $0x1  }
0xb2: {  	[sflag:s10] =	ssyncadd.s32 @p0 $0xFFFFFFFF  }
0xb3: {  	s11 =	sshll.u32 @!p0 s1, $0xE  }
0xb4: {  	s11 =	sor.u32 @!p0 $0x4000, s11;
	s10 =	simm.s32 @!p0 $0x1B8D  }
0xb5: {  	s9 =	sshll.u32 @!p0 s9, $0x11;
	s11 =	sadd.s32 @!p0 $0x11B8D, s11;
	_ =	swait.eq @!p0 [sflag:s10], $0x1  }
0xb6: {  	s9 =	sor.u32 @!p0 s9, s11;
	[sflag:s10] =	ssyncadd.s32 @!p0 $0xFFFFFFFF  }
0xb7: {  	s25 =	simm.s32 $0x1B8E;
	s24 =	sld [smem:$0x3FFE];
	[sflag:s9] =	ssyncadd.remote.s32 @!p0 $0x1  }
0xb8: {  	s26 =	simm.s32 $execute0_lowered;
	[smem:$0x3FD2] =	sst s25  }
0xb9: {  	s10 =	sshll.u32 s26, $0x1;
	_ =	strace $0x80000049;
	[dreg:$0x1] =	wrdreg $0xFFFFFFFF  }
0xba: {  	s28 =	simm.s32 $_size_execute0_lowered;
	s8 =	sadd.s32 s8, s10;
	[dreg:$0x0] =	wrdreg $0x0  }
0xbb: {  	s10 =	sshll.u32 s28, $0x1;
	[dreg:$0x2] =	wrdreg s8  }
0xbc: {  	[dreg:$0x3] =	wrdreg s10  }
0xbd: {  	[dreg:$0x4] =	wrdreg $0xC0  }
0xbe: {  	_ =	task [dreg:s22], $0x5FFFF  }
0xbf: {  	[dreg:$0x1] =	wrdreg $0xFFFFFFFF  }
0xc0: {  	[dreg:$0x0] =	wrdreg $0x60  }
0xc1: {  	[dreg:$0x2] =	wrdreg s18  }
0xc2: {  	[dreg:$0x3] =	wrdreg s4  }
0xc3: {  	[dreg:$0x4] =	wrdreg s5  }
0xc4: {  	[dreg:$0x5] =	wrdreg s6  }
0xc5: {  	[dreg:$0x6] =	wrdreg s7  }
0xc6: {  	[dreg:$0x7] =	wrdreg s24  }
0xc7: {  	[dreg:$0x8] =	wrdreg $0x9  }
0xc8: {  	_ =	task.clear_ibuf [dreg:s22], $0x9FFFF;
	_ =	strace $0x90000049  }
0xc9: {  	s29 =	simm.s32 $0x9;
	_ =	strace $0x8000004B  }
0xca: {  	_ =	swait.ge [sflag:s29], $0x1  }
0xcb: {  	[sflag:s29] =	ssyncadd.s32 $0xFFFFFFFF  }
0xcc: {  	_ =	strace $0x9000004B  }
0xcd: {  	_ =	sfence  }
0xce: {  	s30 =	sld [smem:$0x0];
	_ =	sdelay $0x2  }
0xcf: {  	s31 =	sshll.u32 s1, $0xD;
	s1 =	sshrl.u32 s1, $0x2  }
0xd0: {  	s4 =	sand.u32 $0x4000, s31;
	s1 =	sadd.s32 s1, s30  }
0xd1: {  	s0 =	sor.u32 s4, s0;
	s1 =	sshll.u32 s1, $0x11  }
0xd2: {  	s0 =	sor.u32 s1, s0  }
0xd3: {  	s0 =	sadd.s32 $0x8F2B, s0  }
0xd4: {  	[sflag:s0] =	ssyncadd.remote.s32 $0x1  }
0xd5: {  	_ =	sfence.sel $0xFFFF  }
0xd6: {  	[dreg:$0x0] =	wrdreg $0xFFFFFFFF;
	(pc) =	sbr.abs _section_cstart, $3  }
0xd7: {  	[dreg:$0x1] =	wrdreg $0xFFFFFFFF  }
0xd8: {  	_ =	task.clear_ibuf [dreg:s22], $0x2FFFF;
	_ =	strace $0x9FFFFFFF  }
0xd9: {  	(tm) =	ssettm $0x7FFFFFFF  }
tec
execute0_lowered:
.L_overlay_start_1:
0x0: {  	(tag) =	ssettag $0x1  }
0x1: {  	s0 =	rddreg [dreg:$0x0]  }
0x2: {  	s1 =	rddreg [dreg:$0x1]  }
0x3: {  	s3 =	rddreg [dreg:$0x2]  }
0x4: {  	s16 =	rddreg [dreg:$0x3]  }
0x5: {  	s15 =	rddreg [dreg:$0x4]  }
0x6: {  	s6 =	rddreg [dreg:$0x5]  }
0x7: {  	s2 =	simm.s32 $0x0;
	s4 =	srdreg.scid;
	s7 =	stileid.u32  }
0x8: {  	s18 =	simm.s32 $0x400;
	s19 =	simm.s32 $0x1;
	s20 =	simm.s32 $0x10E00  }
0x9: {  	s21 =	simm.s32 $0x3;
	s22 =	simm.s32 $0xCE00;
	s23 =	simm.s32 $0x14E00  }
0xa: {  	s24 =	simm.s32 $0x18E00;
	s28 =	simm.s32 $0x4;
	s29 =	simm.s32 $0x5  }
0xb: {  	s30 =	simm.s32 $0x0;
	[smem:$0x7FF] =	sst s2;
	s5 =	sand.u32 $0x1, s4  }
0xc: {  	s25 =	sadd.s32 $0x1600, s6;
	s7 =	sshll.u32 s7, $0xA;
	s4 =	sadd.s32 $0x1800, s6  }
0xd: {  	_ =	strace $0x8000004A;
	[dreg:$0x7] =	wrdreg s25;
	s8 =	sshll.u32 s5, $0x9  }
0xe: {  	s26 =	ssub.s32 $0x2, s5;
	s5 =	sadd.s32 $0x558C00, s6;
	s7 =	sor.u32 s8, s7  }
0xf: {  	s25 =	simm.s32 $0x2;
	s10 =	sshrl.u32 s26, $0x1;
	s9 =	sshll.u32 s7, $0x2  }
0x10: {  	s14 =	ssub.s32 s26, s10;
	s17 =	sshrl.u32 s7, $0x3;
	s26 =	simm.s32 $0x6  }
0x11: {  	s13 =	sadd.s32 s9, s6;
	s0 =	sadd.s32 s0, s17;
	s31 =	sadd.s32 s1, s17  }
0x12: {  	s9 =	sadd.s32 s3, s17;
	s14 =	smax.u32 s14, $0x1;
	s15 =	sadd.s32 s17, s15  }
0x13: {  	s16 =	sadd.s32 s17, s16;
	s17 =	simm.s32 $0x200;
	s8 =	sadd.s32 $0x3D2200, s13  }
0x14: {  	[dreg:$0x8] =	wrdreg s0;
	s10 =	sadd.s32 $0x3E2200, s13;
	s11 =	sadd.s32 $0x3F2200, s13  }
0x15: {  	v0 =	vimm.f32 $0.0e+00;
	[dreg:$0x9] =	wrdreg s31;
	s12 =	sadd.s32 $0x402200, s13;
	s13 =	sadd.s32 $0x412200, s13  }
.LBB2_1:
0x16: {  	s0 =	rddreg [dreg:$0x8]  }
0x17: {  	[tilespmem:s2], [sflag:$0x1] =	stream.linear.gather [hbm4b:s0+s2], $0x200, $0x38;
	[tilespmem:$0x1CE00] =	vst v63  }
0x18: {  	s6 =	rddreg [dreg:$0x9]  }
0x19: {  	[tilespmem:s17], [sflag:$0x1] =	stream.linear.gather [hbm4b:s6+s2], $0x200, $0x38;
	[tilespmem:$0x1CE00] =	vst v63  }
0x1a: {  	_ = 	snop  }
0x1b: {  	[tilespmem:s18], [sflag:$0x1] =	stream.linear.gather [hbm4b:s9+s2], $0x200, $0x38;
	[tilespmem:$0x1CE00] =	vst v63  }
0x1c: {  	s7 =	simm.s32 $0x600;
	s1 =	sadd.s32 $0x0, s16;
	s31 =	simm.s32 $0x800  }
0x1d: {  	[tilespmem:s7], [sflag:$0x1] =	stream.linear.gather [hbm4b:s1+s2], $0x200, $0x38;
	[tilespmem:$0x1CE00] =	vst v63  }
0x1e: {  	s3 =	sadd.s32 $0x0, s15;
	s0 =	simm.s32 $0x0;
	s1 =	simm.s32 $0x6A00  }
.LBB2_2:
0x1f: {  	[tilespmem:s1], [sflag:$0x1] =	stream.linear.gather [hbm4b:s3+s0], $0x200, $0x38;
	[tilespmem:$0x1CE00] =	vst v63  }
0x20: {  	s3 =	smov.u32 s31;
	p0 =	sne.s32 s31, $0x18800  }
.Ltmp0:
0x21: {  	s31 =	sadd.s32 $0x800, s31;
	(pc) =	sbr.rel @p0 .LBB2_2-.Ltmp0, $4  }
0x22: {  	s1 =	sshra.s32 s3, $0x2  }
0x23: {  	s0 =	simm.s32 $0x0;
	s7 =	sadd.s32 s3, s16;
	s6 =	sadd.s32 $0x600, s1  }
0x24: {  	[tilespmem:s6], [sflag:$0x1] =	stream.linear.gather [hbm4b:s7+s0], $0x200, $0x38;
	[tilespmem:$0x1CE00] =	vst v63  }
0x25: {  	s3 =	sadd.s32 s3, s15;
	s1 =	sadd.s32 $0x6A00, s1  }
0x26: {  	[tilespmem:s1], [sflag:$0x1] =	stream.linear.gather [hbm4b:s3+s0], $0x200, $0x38;
	[tilespmem:$0x1CE00] =	vst v63  }
0x27: {  	s31 =	simm.s32 $0x80;
	s0 =	simm.s32 $0x0  }
.LBB2_4:
0x28: {  	p0 =	sne.s32 s31, $0xFF80;
	[tilespmem:s0+$0x18E10] =	vst v0;
	s1 =	smov.u32 s31;
	s31 =	sadd.s32 $0x80, s31  }
.Ltmp1:
0x29: {  	[tilespmem:s0+$0x18E00] =	vst v0;
	(pc) =	sbr.rel @p0 .LBB2_4-.Ltmp1, $3  }
0x2a: {  	[tilespmem:s0+$0x14E00] =	vst v0  }
0x2b: {  	[tilespmem:s0+$0x14E10] =	vst v0;
	_ =	sdelay $0x1  }
0x2c: {  	s0 =	sshra.s32 s1, $0x2  }
0x2d: {  	[tilespmem:s0+$0x18E10] =	vst v0  }
0x2e: {  	[tilespmem:s0+$0x18E00] =	vst v0  }
0x2f: {  	[tilespmem:s0+$0x14E00] =	vst v0  }
0x30: {  	[tilespmem:s0+$0x14E10] =	vst v0  }
0x31: {  	_ =	swait.ge [sflag:s19], $0x200  }
0x32: {  	[sflag:s19] =	ssyncset.done $0x0  }
0x33: {  	[sflag:s19] =	ssyncadd.s32 $0xFFFFFE00  }
0x34: {  	_ =	swait.ge [sflag:s19], $0x200  }
0x35: {  	[sflag:s19] =	ssyncset.done $0x0  }
0x36: {  	[sflag:s19] =	ssyncadd.s32 $0xFFFFFE00  }
0x37: {  	_ =	swait.ge [sflag:s19], $0x200  }
0x38: {  	[sflag:s19] =	ssyncset.done $0x0  }
0x39: {  	[sflag:s19] =	ssyncadd.s32 $0xFFFFFE00  }
0x3a: {  	_ =	swait.ge [sflag:s19], $0x200  }
0x3b: {  	[sflag:s19] =	ssyncset.done $0x0  }
0x3c: {  	[sflag:s19] =	ssyncadd.s32 $0xFFFFFE00  }
0x3d: {  	_ =	swait.ge [sflag:s19], $0x200  }
0x3e: {  	s0 =	simm.s32 $0x31;
	[sflag:s19] =	ssyncset.done $0x0  }
.LBB2_6:
0x3f: {  	p0 =	sne.s32 s0, $0x1;
	s0 =	sadd.s32 $0xFFFFFFFF, s0;
	[sflag:s19] =	ssyncadd.s32 $0xFFFFFE00  }
.Ltmp2:
0x40: {  	_ =	swait.ge [sflag:s19], $0x200;
	(pc) =	sbr.rel @p0 .LBB2_6-.Ltmp2, $4  }
0x41: {  	[sflag:s19] =	ssyncset.done $0x0  }
0x42: {  	[sflag:s19] =	ssyncadd.s32 $0xFFFFFE00  }
0x43: {  	_ =	swait.ge [sflag:s19], $0x200  }
0x44: {  	[sflag:s19] =	ssyncset.done $0x0  }
0x45: {  	[sflag:s19] =	ssyncadd.s32 $0xFFFFFE00;
	s0 =	simm.s32 $0x0;
	s1 =	rddreg [dreg:$0x7]  }
0x46: {  	[tilespmem:s20], [sflag:$0x3] =	stream.indirect.gather [hbm4b:s1+s17], $0x20, s0, s17, $0xb8;
	[tilespmem:$0x1CE00] =	vst v63  }
0x47: {  	_ =	swait.ge [sflag:s21], $0x4000  }
0x48: {  	[sflag:s21] =	ssyncset.done $0x0  }
0x49: {  	[sflag:s21] =	ssyncadd.s32 $0xFFFFC000  }
0x4a: {  	[hbm4b:s8+s0] =	stream.linear.scatter [tilespmem:s20], [sflag:$0x3], $0x4000, $0x38;
	[tilespmem:$0x1CE00] =	vst v63  }
0x4b: {  	_ = 	snop  }
0x4c: {  	[tilespmem:s22], [sflag:$0x2] =	stream.indirect.gather [hbm4b:s4+s17], $0x20, s17, s17, $0xb8;
	[tilespmem:$0x1CE00] =	vst v63  }
0x4d: {  	_ =	swait.ge [sflag:s21], $0x4000  }
0x4e: {  	[sflag:s21] =	ssyncset.done $0x0  }
0x4f: {  	s1 =	simm.s32 $0x600;
	s0 =	simm.s32 $0x800;
	[sflag:s21] =	ssyncadd.s32 $0xFFFFC000  }
0x50: {  	[tilespmem:s20], [sflag:$0x3] =	stream.indirect.gather [hbm4b:s5+s17], $0x20, s18, s17, $0xb8;
	[tilespmem:$0x1CE00] =	vst v63  }
.LBB2_8:
0x51: {  	[tilespmem:s23], [sflag:$0x4] =	stream.indirect.gather.add.f32 [hbm:s4], $0x20, s1, s17, $0xb8;
	[tilespmem:$0x1CE00] =	vst v63  }
0x52: {  	s1 =	smov.u32 s0;
	p0 =	sne.s32 s0, $0x18800  }
.Ltmp3:
0x53: {  	s0 =	sadd.s32 $0x800, s0;
	(pc) =	sbr.rel @p0 .LBB2_8-.Ltmp3, $3  }
0x54: {  	_ =	sdelay $0x1  }
0x55: {  	s1 =	sshra.s32 s1, $0x2  }
0x56: {  	s1 =	sadd.s32 $0x600, s1  }
0x57: {  	[tilespmem:s23], [sflag:$0x4] =	stream.indirect.gather.add.f32 [hbm:s4], $0x20, s1, s17, $0xb8;
	[tilespmem:$0x1CE00] =	vst v63  }
0x58: {  	s0 =	simm.s32 $0x800;
	s1 =	simm.s32 $0x6A00  }
.LBB2_10:
0x59: {  	[tilespmem:s24], [sflag:$0x5] =	stream.indirect.gather.add.f32 [hbm:s5], $0x20, s1, s17, $0xb8;
	[tilespmem:$0x1CE00] =	vst v63  }
0x5a: {  	s1 =	smov.u32 s0;
	p0 =	sne.s32 s0, $0x18800  }
.Ltmp4:
0x5b: {  	s0 =	sadd.s32 $0x800, s0;
	(pc) =	sbr.rel @p0 .LBB2_10-.Ltmp4, $3  }
0x5c: {  	_ =	sdelay $0x1  }
0x5d: {  	s1 =	sshra.s32 s1, $0x2  }
0x5e: {  	s1 =	sadd.s32 $0x6A00, s1  }
0x5f: {  	[tilespmem:s24], [sflag:$0x5] =	stream.indirect.gather.add.f32 [hbm:s5], $0x20, s1, s17, $0xb8;
	[tilespmem:$0x1CE00] =	vst v63  }
0x60: {  	_ =	swait.ge [sflag:s25], $0x4000  }
0x61: {  	[sflag:s25] =	ssyncset.done $0x0  }
0x62: {  	[sflag:s25] =	ssyncadd.s32 $0xFFFFC000  }
0x63: {  	[hbm4b:s10+s2] =	stream.linear.scatter [tilespmem:s22], [sflag:$0x6], $0x4000, $0x38;
	[tilespmem:$0x1CE00] =	vst v63  }
0x64: {  	_ =	swait.ge [sflag:s26], $0x4000  }
0x65: {  	[sflag:s26] =	ssyncset.done $0x0  }
0x66: {  	[sflag:s26] =	ssyncadd.s32 $0xFFFFC000  }
0x67: {  	_ =	swait.ge [sflag:s21], $0x4000  }
0x68: {  	[sflag:s21] =	ssyncset.done $0x0  }
0x69: {  	[sflag:s21] =	ssyncadd.s32 $0xFFFFC000  }
0x6a: {  	[hbm4b:s11+s2] =	stream.linear.scatter [tilespmem:s20], [sflag:$0x6], $0x4000, $0x38;
	[tilespmem:$0x1CE00] =	vst v63  }
0x6b: {  	_ =	swait.ge [sflag:s26], $0x4000  }
0x6c: {  	[sflag:s26] =	ssyncset.done $0x0  }
0x6d: {  	s0 =	simm.s32 $0x32;
	[sflag:s26] =	ssyncadd.s32 $0xFFFFC000  }
.LBB2_12:
0x6e: {  	p0 =	sne.s32 s0, $0x1  }
.Ltmp5:
0x6f: {  	_ = 	snop;
	(pc) =	sbr.rel @p0 .LBB2_12-.Ltmp5, $4  }
0x70: {  	_ = 	snop  }
0x71: {  	_ =	swait.ge [sflag:s28], $0x4000  }
0x72: {  	[sflag:s28] =	ssyncset.done $0x0  }
0x73: {  	s0 =	sadd.s32 $0xFFFFFFFF, s0;
	[sflag:s28] =	ssyncadd.s32 $0xFFFFC000  }
0x74: {  	s31 =	simm.s32 $0x0  }
0x75: {  	s0 =	simm.s32 $0x80;
	v1 =	vld [tilespmem:s31+$0x14E00]  }
.LBB2_14:
0x76: {  	p0 =	sne.s32 s0, $0xFF80;
	v2 =	vld [tilespmem:s31+$0x14E10];
	_ =	sdelay $0x2  }
.Ltmp6:
0x77: {  	(pc) =	sbr.rel @p0 .LBB2_14-.Ltmp6, $4  }
0x78: {  	v1 =	vmul.f32 $1.999999960e-02, v1  }
0x79: {  	v2 =	vmul.f32 $1.999999960e-02, v2  }
0x7a: {  	s1 =	sshra.s32 s0, $0x2;
	[tilespmem:s31+$0x14E00] =	vst v1  }
0x7b: {  	s0 =	sadd.s32 $0x80, s0;
	v1 =	vld [tilespmem:s1+$0x14E00];
	[tilespmem:s31+$0x14E10] =	vst v2;
	s31 =	smov.u32 s1  }
0x7c: {  	v2 =	vld [tilespmem:s31+$0x14E10];
	_ =	sdelay $0x3  }
0x7d: {  	v1 =	vmul.f32 $1.999999960e-02, v1  }
0x7e: {  	v2 =	vmul.f32 $1.999999960e-02, v2  }
0x7f: {  	[tilespmem:s31+$0x14E00] =	vst v1  }
0x80: {  	[tilespmem:s31+$0x14E10] =	vst v2  }
0x81: {  	[hbm4b:s12+s2] =	stream.linear.scatter [tilespmem:s23], [sflag:$0x6], $0x4000, $0x38;
	[tilespmem:$0x1CE00] =	vst v63  }
0x82: {  	_ =	swait.ge [sflag:s26], $0x4000  }
0x83: {  	[sflag:s26] =	ssyncset.done $0x0  }
0x84: {  	s0 =	simm.s32 $0x32;
	[sflag:s26] =	ssyncadd.s32 $0xFFFFC000  }
.LBB2_16:
0x85: {  	p0 =	sne.s32 s0, $0x1  }
.Ltmp7:
0x86: {  	_ = 	snop;
	(pc) =	sbr.rel @p0 .LBB2_16-.Ltmp7, $4  }
0x87: {  	_ = 	snop  }
0x88: {  	_ =	swait.ge [sflag:s29], $0x4000  }
0x89: {  	[sflag:s29] =	ssyncset.done $0x0  }
0x8a: {  	s0 =	sadd.s32 $0xFFFFFFFF, s0;
	[sflag:s29] =	ssyncadd.s32 $0xFFFFC000  }
0x8b: {  	s31 =	simm.s32 $0x0  }
0x8c: {  	s0 =	simm.s32 $0x80;
	v1 =	vld [tilespmem:s31+$0x18E00]  }
.LBB2_18:
0x8d: {  	p0 =	sne.s32 s0, $0xFF80;
	v2 =	vld [tilespmem:s31+$0x18E10];
	_ =	sdelay $0x2  }
.Ltmp8:
0x8e: {  	(pc) =	sbr.rel @p0 .LBB2_18-.Ltmp8, $4  }
0x8f: {  	v1 =	vmul.f32 $1.999999960e-02, v1  }
0x90: {  	v2 =	vmul.f32 $1.999999960e-02, v2  }
0x91: {  	s1 =	sshra.s32 s0, $0x2;
	[tilespmem:s31+$0x18E00] =	vst v1  }
0x92: {  	s0 =	sadd.s32 $0x80, s0;
	v1 =	vld [tilespmem:s1+$0x18E00];
	[tilespmem:s31+$0x18E10] =	vst v2;
	s31 =	smov.u32 s1  }
0x93: {  	v2 =	vld [tilespmem:s31+$0x18E10];
	_ =	sdelay $0x3  }
0x94: {  	v1 =	vmul.f32 $1.999999960e-02, v1  }
0x95: {  	s30 =	sadd.s32 $0x1, s30;
	v2 =	vmul.f32 $1.999999960e-02, v2  }
0x96: {  	p0 =	sne.s32 s30, s14;
	[tilespmem:s31+$0x18E00] =	vst v1  }
.Ltmp9:
0x97: {  	[tilespmem:s31+$0x18E10] =	vst v2;
	(pc) =	sbr.rel @p0 .LBB2_1-.Ltmp9, $4  }
0x98: {  	[hbm4b:s13+s2] =	stream.linear.scatter [tilespmem:s24], [sflag:$0x6], $0x4000, $0x38;
	[tilespmem:$0x1CE00] =	vst v63  }
0x99: {  	_ =	swait.ge [sflag:s26], $0x4000  }
0x9a: {  	[sflag:s26] =	ssyncset.done $0x0  }
0x9b: {  	[sflag:s26] =	ssyncadd.s32 $0xFFFFC000  }
0x9c: {  	_ =	sfence.sel $0x180000  }
0x9d: {  	[bflag:$0x0] =	sbarrier.arrive $0xFFFF  }
0x9e: {  	_ =	strace $0x9000004A  }
0x9f: {  	s0 =	stileid.u32;
	[bflag:$0x2] =	sbarrier.arrive $0xFFFF  }
0xa0: {  	p0 =	sne.s32 s0, $0x0;
	s0 =	rddreg [dreg:$0x6]  }
0xa1: {  	s0 =	sadd.s32 @!p0 $0x100000, s0  }
0xa2: {  	[sflag:s0] =	ssyncadd.tile.s32 @!p0 $0x1;
	_ =	shalt  }
.Lfunc_end2:
_tile_overlayer_lowered:
.L_overlay_start_2:
0xa3: {  	(tag) =	ssettag $0x2  }
0xa4: {  	s0 =	rddreg [dreg:$0x0];
	s2 =	stileid.u32  }
0xa5: {  	s1 =	rddreg [dreg:$0x1];
	p0 =	sne.s32 s2, $0x0  }
0xa6: {  	s3 =	rddreg [dreg:$0x2];
	[bflag:$0x3] =	sbarrier.arrive $0xFFFF;
	s2 =	simm.s32 @!p0 $0x1C06  }
0xa7: {  	[timem:s3], [sflag:s2] =	dma.local @!p0 [hbm:s0], s1  }
0xa8: {  	s0 =	simm.s32 @!p0 $0x6  }
0xa9: {  	_ =	swait.ge @!p0 [sflag:s0], s1  }
0xaa: {  	s1 =	ssub.s32 @!p0 $0x0, s1;
	[sflag:s0] =	ssyncset.done @!p0 $0x0  }
0xab: {  	[sflag:s0] =	ssyncadd.s32 @!p0 s1  }
0xac: {  	[bflag:$0x3] =	sbarrier.arrive $0xFFFF  }
0xad: {  	_ =	shalt  }

// kernel: _run.7.cloned.1.call-start
scs
__scs_entry_jumppad:
0x0: {  	(pc) =	sbr.rel $0x88, $3  }
0x1: {  	(tag) =	ssettag $0x0;
	lr =	simm.s32 $0x1  }
0x2: {  	[smem:$0x3F97] =	sst lr;
	_ =	strace $0xD0000000  }
0x3: {  	_ = 	snop  }
0x4: {  	_ = 	snop  }
0x5: {  	_ = 	snop  }
0x6: {  	_ = 	snop  }
0x7: {  	_ = 	snop  }
__scs_overlays_trampoline_lowered:
0x8: {  	[smem:$0x3FA6] =	sst s0  }
0x9: {  	[smem:$0x3FA7] =	sst s1  }
0xa: {  	[smem:$0x3FA8] =	sst s2  }
0xb: {  	[smem:$0x3FA9] =	sst s3  }
0xc: {  	[smem:$0x3FAA] =	sst s4  }
0xd: {  	[smem:$0x3FAB] =	sst s5  }
0xe: {  	[smem:$0x3FAC] =	sst s6  }
0xf: {  	[smem:$0x3FAD] =	sst s7  }
0x10: {  	[smem:$0x3FAE] =	sst s8  }
0x11: {  	[smem:$0x3FAF] =	sst s9;
	s0 =	simm.s32 @!p0 $0x0  }
0x12: {  	s1 =	sld [smem:$0x3F95];
	s0 =	simm.s32 @p0 $0x1  }
0x13: {  	[smem:$0x3FB0] =	sst s0;
	s0 =	simm.s32 @!p1 $0x0  }
0x14: {  	s2 =	sld [smem:$0x3F94];
	s0 =	simm.s32 @p1 $0x1  }
0x15: {  	[smem:$0x3FB1] =	sst s0;
	s0 =	simm.s32 @!p2 $0x0  }
0x16: {  	s3 =	sld [smem:$0x3FDB];
	s0 =	simm.s32 @p2 $0x1  }
0x17: {  	s4 =	simm.s32 $0x1BF5;
	[smem:$0x3FB3] =	sst s0  }
0x18: {  	s0 =	sld [smem:$0x3F96];
	_ =	swait.ge [sflag:s4], $0x0  }
0x19: {  	s7 =	sld [smem:$0x3F97]  }
0x1a: {  	s8 =	sadd.s32 $0xFFFFE003, lr  }
0x1b: {  	s9 =	sadd.s32 $0xFFFFFEF7, lr;
	s5 =	simm.s32 $0xFFFFFFFF;
	p2 =	slt.u32 s8, $0xFFFFF086  }
0x1c: {  	p1 =	slt.u32 s9, $0xF7A;
	s5 =	simm.s32 @!p2 $0x0  }
0x1d: {  	s5 =	simm.s32 @p1 $0x1;
	p0 =	seq.s32 s7, s2  }
0x1e: {  	s7 =	smul.u32 @!p0 $0xF7A, s2;
	p2 =	seq.s32 @!p0 s5, $0x0  }
0x1f: {  	s9 =	smul.u32 $0xF7A, s1;
	s8 =	simm.s32 @!p0 $0x1BF5;
	p2 =	por !p2, p0  }
0x20: {  	[sflag:s8] =	ssyncset.s32 @!p0 $0xFFFFF086;
	s6 =	sadd.s32 @!p0 s3, s7;
	s7 =	simm.s32 @!p0 $0x108  }
0x21: {  	s3 =	sadd.s32 s3, s9;
	s6 =	sadd.s32 @!p0 $0x88, s6;
	s7 =	simm.s32 @p2 $0x1082  }
0x22: {  	[simem:s7], [sflag:s8] =	dma.local @!p0 [hbm:s6], $0xF7A  }
0x23: {  	s9 =	sor.u32 $0xD0000000, s2;
	s6 =	simm.s32 $0x108;
	_ =	swait.ge @!p0 [sflag:s8], $0x0  }
0x24: {  	s3 =	sadd.s32 $0x88, s3;
	s6 =	simm.s32 @!p1 $0x1082;
	[sflag:s4] =	ssyncset.s32 $0xFFFFF086  }
0x25: {  	[simem:s6], [sflag:s4] =	dma.local [hbm:s3], $0xF7A  }
0x26: {  	[smem:$0x3F97] =	sst s1;
	(tag) =	ssettag s2;
	_ =	strace s9  }
0x27: {  	s1 =	sld [smem:$0x3FA7]  }
0x28: {  	s2 =	sld [smem:$0x3FA8]  }
0x29: {  	s4 =	sld [smem:$0x3FAA]  }
0x2a: {  	p0 =	seq.s32 s5, $0x0;
	s5 =	sld [smem:$0x3FAB]  }
0x2b: {  	s6 =	sld [smem:$0x3FAC]  }
0x2c: {  	s7 =	sld [smem:$0x3FAD]  }
0x2d: {  	s3 =	simm.s32 $0x108;
	s8 =	sld [smem:$0x3FAE]  }
0x2e: {  	s3 =	simm.s32 @!p0 $0x1082;
	s9 =	sld [smem:$0x3FAF]  }
0x2f: {  	lr =	sadd.s32 s0, s3;
	s0 =	sld [smem:$0x3FA6]  }
0x30: {  	s3 =	sld [smem:$0x3FA9]  }
0x31: {  	[smem:$0x3FB2] =	sst s10  }
0x32: {  	s10 =	sld [smem:$0x3FB0];
	_ =	sdelay $0x3  }
0x33: {  	p0 =	seq.s32 s10, $0x1;
	s10 =	sld [smem:$0x3FB2];
	_ =	sdelay $0x3  }
0x34: {  	[smem:$0x3FB2] =	sst s10  }
0x35: {  	s10 =	sld [smem:$0x3FB1];
	_ =	sdelay $0x3  }
0x36: {  	p1 =	seq.s32 s10, $0x1;
	s10 =	sld [smem:$0x3FB2];
	_ =	sdelay $0x3  }
0x37: {  	[smem:$0x3FB2] =	sst s10  }
0x38: {  	s10 =	sld [smem:$0x3FB3]  }
0x39: {  	_ = 	snop;
	(pc) =	sbr.ind lr, $3  }
0x3a: {  	_ = 	snop  }
0x3b: {  	_ = 	snop  }
0x3c: {  	p2 =	seq.s32 s10, $0x1;
	s10 =	sld [smem:$0x3FB2]  }
0x3d: {  	_ =	shalt  }
0x3e: {  	_ =	shalt  }
0x3f: {  	_ =	shalt  }
0x40: {  	_ =	shalt  }
0x41: {  	_ =	shalt  }
0x42: {  	_ =	shalt  }
0x43: {  	_ =	shalt  }
0x44: {  	_ =	shalt  }
0x45: {  	_ =	shalt  }
0x46: {  	_ =	shalt  }
0x47: {  	_ =	shalt  }
0x48: {  	_ =	shalt  }
0x49: {  	_ =	shalt  }
0x4a: {  	_ =	shalt  }
0x4b: {  	_ =	shalt  }
0x4c: {  	_ =	shalt  }
0x4d: {  	_ =	shalt  }
0x4e: {  	_ =	shalt  }
0x4f: {  	_ =	shalt  }
0x50: {  	_ =	shalt  }
0x51: {  	_ =	shalt  }
0x52: {  	_ =	shalt  }
0x53: {  	_ =	shalt  }
0x54: {  	_ =	shalt  }
0x55: {  	_ =	shalt  }
0x56: {  	_ =	shalt  }
0x57: {  	_ =	shalt  }
0x58: {  	_ =	shalt  }
0x59: {  	_ =	shalt  }
0x5a: {  	_ =	shalt  }
0x5b: {  	_ =	shalt  }
0x5c: {  	_ =	shalt  }
0x5d: {  	_ =	shalt  }
0x5e: {  	_ =	shalt  }
0x5f: {  	_ =	shalt  }
0x60: {  	_ =	shalt  }
0x61: {  	_ =	shalt  }
0x62: {  	_ =	shalt  }
0x63: {  	_ =	shalt  }
0x64: {  	_ =	shalt  }
0x65: {  	_ =	shalt  }
0x66: {  	_ =	shalt  }
0x67: {  	_ =	shalt  }
0x68: {  	_ =	shalt  }
0x69: {  	_ =	shalt  }
0x6a: {  	_ =	shalt  }
0x6b: {  	_ =	shalt  }
0x6c: {  	_ =	shalt  }
0x6d: {  	_ =	shalt  }
0x6e: {  	_ =	shalt  }
0x6f: {  	_ =	shalt  }
0x70: {  	_ =	shalt  }
0x71: {  	_ =	shalt  }
0x72: {  	_ =	shalt  }
0x73: {  	_ =	shalt  }
0x74: {  	_ =	shalt  }
0x75: {  	_ =	shalt  }
0x76: {  	_ =	shalt  }
0x77: {  	_ =	shalt  }
0x78: {  	_ =	shalt  }
0x79: {  	_ =	shalt  }
0x7a: {  	_ =	shalt  }
0x7b: {  	_ =	shalt  }
0x7c: {  	_ =	shalt  }
0x7d: {  	_ =	shalt  }
0x7e: {  	_ =	shalt  }
0x7f: {  	_ =	shalt  }
0x80: {  	_ =	shalt  }
0x81: {  	_ =	shalt  }
0x82: {  	_ =	shalt  }
0x83: {  	_ =	shalt  }
0x84: {  	_ =	shalt  }
0x85: {  	_ =	shalt  }
0x86: {  	_ =	shalt  }
0x87: {  	_ =	shalt  }
.Lfunc_end0:
.L_simem_size_0:
called_computation.1_lowered:
.L_overlay_start_0:
0x88: {  	s2 =	sld [smem:$0x3FD9]  }
0x89: {  	s3 =	sld [smem:$0x3FFE];
	_ =	sdelay $0x1  }
0x8a: {  	s1 =	srdreg.scid  }
0x8b: {  	s0 =	sand.u32 $0x1, s1  }
0x8c: {  	s17 =	sshll.u32 s0, $0xA;
	s2 =	sadd.s32 s3, s2  }
0x8d: {  	s2 =	sadd.s32 s2, s17  }
0x8e: {  	[smem:$0x3FBE] =	sst s2  }
0x8f: {  	_ = 	snop  }
0x90: {  	s2 =	sld [smem:$0x3FC9]  }
0x91: {  	s18 =	sld [smem:$0x3FD0];
	(tm) =	ssettm $0x1  }
0x92: {  	s4 =	sld [smem:$0x3FFB];
	_ =	sdelay $0x3  }
0x93: {  	_ =	strace s4  }
0x94: {  	s4 =	sld [smem:$0x3FFC];
	_ =	sdelay $0x3  }
0x95: {  	_ =	strace s4  }
0x96: {  	s4 =	sld [smem:$0x3FFD];
	_ =	sdelay $0x3  }
0x97: {  	_ =	strace s4  }
0x98: {  	_ =	strace $0x8FFFFFFF  }
0x99: {  	s19 =	sld [smem:$0x3FDB];
	_ =	sdelay $0x1  }
0x9a: {  	s5 =	simm.s32 $_scs_section_size  }
0x9b: {  	s6 =	simm.s32 $_size__tile_overlayer_lowered;
	s7 =	simm.s32 $_tile_overlayer_lowered  }
0x9c: {  	s22 =	simm.s32 $0x1BFF;
	s21 =	sshll.u32 s7, $0x1;
	s4 =	sadd.s32 s5, s19  }
0x9d: {  	s8 =	simm.s32 $0x0;
	s20 =	sshll.u32 s6, $0x1;
	s6 =	sadd.s32 s21, s4  }
0x9e: {  	[timem:s8], [sflag:s22] =	dma.local [hbm:s6], s20  }
0x9f: {  	_ =	swait.ge [sflag:s22], s20  }
0xa0: {  	s5 =	ssub.s32 $0x0, s20;
	[sflag:s22] =	ssyncset.done $0x0  }
0xa1: {  	[sflag:s22] =	ssyncadd.s32 s5;
	_ =	sdelay $0x1  }
0xa2: {  	s23 =	simm.s32 $0x1B8B  }
0xa3: {  	_ =	swait.ge [sflag:s23], $0x1  }
0xa4: {  	[sflag:s23] =	ssyncset.done $0x0  }
0xa5: {  	s25 =	simm.s32 $0x1B8E;
	s24 =	sld [smem:$0x3FFE];
	[sflag:s23] =	ssyncadd.s32 $0xFFFFFFFF  }
0xa6: {  	s26 =	simm.s32 $execute0_lowered;
	[smem:$0x3FD2] =	sst s25  }
0xa7: {  	s6 =	sshll.u32 s26, $0x1;
	_ =	strace $0x80000046;
	[dreg:$0x1] =	wrdreg $0xFFFFFFFF  }
0xa8: {  	s28 =	simm.s32 $_size_execute0_lowered;
	s4 =	sadd.s32 s4, s6;
	[dreg:$0x0] =	wrdreg $0x0  }
0xa9: {  	s6 =	sshll.u32 s28, $0x1;
	[dreg:$0x2] =	wrdreg s4  }
0xaa: {  	[dreg:$0x3] =	wrdreg s6  }
0xab: {  	[dreg:$0x4] =	wrdreg $0xC0  }
0xac: {  	_ =	task [dreg:s8], $0x5FFFF  }
0xad: {  	[dreg:$0x1] =	wrdreg $0xFFFFFFFF  }
0xae: {  	[dreg:$0x0] =	wrdreg $0x60  }
0xaf: {  	[dreg:$0x2] =	wrdreg s2  }
0xb0: {  	[dreg:$0x3] =	wrdreg s24  }
0xb1: {  	[dreg:$0x4] =	wrdreg s18  }
0xb2: {  	[dreg:$0x5] =	wrdreg $0xA  }
0xb3: {  	_ =	task.clear_ibuf [dreg:s8], $0x6FFFF;
	_ =	strace $0x90000046  }
0xb4: {  	s29 =	simm.s32 $0xA;
	_ =	strace $0x80000048  }
0xb5: {  	_ =	swait.ge [sflag:s29], $0x1  }
0xb6: {  	[sflag:s29] =	ssyncadd.s32 $0xFFFFFFFF  }
0xb7: {  	_ =	strace $0x90000048  }
0xb8: {  	_ =	sfence  }
0xb9: {  	s30 =	sld [smem:$0x0];
	_ =	sdelay $0x2  }
0xba: {  	s31 =	sshll.u32 s1, $0xD;
	s1 =	sshrl.u32 s1, $0x2  }
0xbb: {  	s3 =	sand.u32 $0x4000, s31;
	s1 =	sadd.s32 s1, s30  }
0xbc: {  	s0 =	sor.u32 s3, s0;
	s1 =	sshll.u32 s1, $0x11  }
0xbd: {  	s0 =	sor.u32 s1, s0  }
0xbe: {  	s0 =	sadd.s32 $0x8F2B, s0  }
0xbf: {  	[sflag:s0] =	ssyncadd.remote.s32 $0x1  }
0xc0: {  	_ =	sfence.sel $0xFFFF  }
0xc1: {  	[dreg:$0x0] =	wrdreg $0xFFFFFFFF;
	(pc) =	sbr.abs _section_cstart, $3  }
0xc2: {  	[dreg:$0x1] =	wrdreg $0xFFFFFFFF  }
0xc3: {  	_ =	task.clear_ibuf [dreg:s8], $0x2FFFF;
	_ =	strace $0x9FFFFFFF  }
0xc4: {  	(tm) =	ssettm $0x7FFFFFFF  }
0xc5: {  	_ =	shalt  }
tec
execute0_lowered:
.L_overlay_start_1:
0x0: {  	(tag) =	ssettag $0x1  }
0x1: {  	s3 =	rddreg [dreg:$0x0]  }
0x2: {  	s1 =	srdreg.scid;
	s5 =	rddreg [dreg:$0x1]  }
0x3: {  	s0 =	stileid.u32;
	s8 =	rddreg [dreg:$0x2];
	s6 =	sand.u32 $0x1, s1  }
0x4: {  	s2 =	simm.s32 $0x0;
	s4 =	sshll.u32 s0, $0xA;
	s7 =	sshll.u32 s6, $0x9  }
0x5: {  	[smem:$0x7FF] =	sst s2;
	s9 =	sor.u32 s7, s4  }
0x6: {  	s1 =	rddreg [dreg:$0x3];
	_ =	strace $0x80000047;
	s4 =	sshrl.u32 s9, $0x3  }
0x7: {  	s10 =	ssub.s32 $0x2, s6;
	s3 =	sadd.s32 s3, s4;
	s4 =	simm.s32 $0x1  }
0x8: {  	[tilespmem:s2], [sflag:$0x1] =	stream.linear.gather [hbm4b:s3+s2], $0x200, $0x38;
	[tilespmem:$0x4200] =	vst v63  }
0x9: {  	s5 =	sadd.s32 $0xF43A00, s5;
	s11 =	sshrl.u32 s10, $0x1;
	_ =	swait.ge [sflag:s4], $0x200  }
0xa: {  	s6 =	simm.s32 $0x200;
	s10 =	ssub.s32 s10, s11;
	[sflag:s4] =	ssyncset.done $0x0  }
0xb: {  	s7 =	simm.s32 $0x2;
	s10 =	smax.u32 s10, $0x1;
	[sflag:s4] =	ssyncadd.s32 $0xFFFFFE00  }
0xc: {  	[tilespmem:s6], [sflag:$0x2] =	stream.indirect.gather [hbm4b:s5+s6], $0x20, s2, s6, $0xb8;
	[tilespmem:$0x4200] =	vst v63  }
0xd: {  	p0 =	sne.s32 s10, $0x1;
	_ =	swait.ge [sflag:s7], $0x4000  }
.Ltmp0:
0xe: {  	s9 =	sshll.u32 s9, $0x2;
	[sflag:s7] =	ssyncset.done $0x0;
	(pc) =	sbr.rel @!p0 .LBB2_2-.Ltmp0, $4  }
0xf: {  	s8 =	sadd.s32 s8, s9;
	s9 =	simm.s32 $0x3;
	[sflag:s7] =	ssyncadd.s32 $0xFFFFC000  }
0x10: {  	[hbm4b:s8+s2] =	stream.linear.scatter [tilespmem:s6], [sflag:$0x3], $0x4000, $0x38;
	[tilespmem:$0x4200] =	vst v63  }
0x11: {  	_ =	swait.ge [sflag:s9], $0x4000  }
0x12: {  	s10 =	sadd.s32 $0xFFFFFFFF, s10;
	[sflag:s9] =	ssyncset.done $0x0  }
.LBB2_1:
0x13: {  	p0 =	sne.s32 s10, $0x1;
	s10 =	sadd.s32 $0xFFFFFFFF, s10;
	[sflag:s9] =	ssyncadd.s32 $0xFFFFC000  }
0x14: {  	[tilespmem:s2], [sflag:$0x1] =	stream.linear.gather [hbm4b:s3+s2], $0x200, $0x38;
	[tilespmem:$0x4200] =	vst v63  }
0x15: {  	_ =	swait.ge [sflag:s4], $0x200  }
0x16: {  	[sflag:s4] =	ssyncset.done $0x0  }
0x17: {  	[sflag:s4] =	ssyncadd.s32 $0xFFFFFE00  }
0x18: {  	[tilespmem:s6], [sflag:$0x2] =	stream.indirect.gather [hbm4b:s5+s6], $0x20, s2, s6, $0xb8;
	[tilespmem:$0x4200] =	vst v63  }
0x19: {  	_ =	swait.ge [sflag:s7], $0x4000  }
.Ltmp1:
0x1a: {  	[sflag:s7] =	ssyncset.done $0x0;
	(pc) =	sbr.rel @p0 .LBB2_1-.Ltmp1, $4  }
0x1b: {  	[sflag:s7] =	ssyncadd.s32 $0xFFFFC000  }
0x1c: {  	[hbm4b:s8+s2] =	stream.linear.scatter [tilespmem:s6], [sflag:$0x3], $0x4000, $0x38;
	[tilespmem:$0x4200] =	vst v63  }
0x1d: {  	_ =	swait.ge [sflag:s9], $0x4000  }
0x1e: {  	[sflag:s9] =	ssyncset.done $0x0  }
.LBB2_2:
0x1f: {  	[sflag:s9] =	ssyncadd.s32 $0xFFFFC000  }
0x20: {  	_ =	sfence.sel $0x180000  }
0x21: {  	[bflag:$0x0] =	sbarrier.arrive $0xFFFF  }
0x22: {  	p0 =	sne.s32 s0, $0x0;
	_ =	strace $0x90000047  }
0x23: {  	s0 =	sadd.s32 @!p0 $0x100000, s1;
	[bflag:$0x2] =	sbarrier.arrive $0xFFFF  }
0x24: {  	[sflag:s0] =	ssyncadd.tile.s32 @!p0 $0x1;
	_ =	shalt  }
.Lfunc_end2:
_tile_overlayer_lowered:
.L_overlay_start_2:
0x25: {  	(tag) =	ssettag $0x2  }
0x26: {  	s0 =	rddreg [dreg:$0x0];
	s2 =	stileid.u32  }
0x27: {  	s1 =	rddreg [dreg:$0x1];
	p0 =	sne.s32 s2, $0x0  }
0x28: {  	s3 =	rddreg [dreg:$0x2];
	[bflag:$0x3] =	sbarrier.arrive $0xFFFF;
	s2 =	simm.s32 @!p0 $0x1C03  }
0x29: {  	[timem:s3], [sflag:s2] =	dma.local @!p0 [hbm:s0], s1  }
0x2a: {  	s0 =	simm.s32 @!p0 $0x3  }
0x2b: {  	_ =	swait.ge @!p0 [sflag:s0], s1  }
0x2c: {  	s1 =	ssub.s32 @!p0 $0x0, s1;
	[sflag:s0] =	ssyncset.done @!p0 $0x0  }
0x2d: {  	[sflag:s0] =	ssyncadd.s32 @!p0 s1  }
0x2e: {  	[bflag:$0x3] =	sbarrier.arrive $0xFFFF  }
0x2f: {  	_ =	shalt  }

</sc_bundles>
